<compile_context>
chip_gen: v7x
topology: tpu7x:2x2x1
jax: 0.10.2.dev20260603
libtpu: 0.0.44.dev20260713+nightly
codegen_flags: <defaults>
</compile_context>

<pallas_src>
import functools

import jax
import jax.numpy as jnp
from jax import lax
from jax.experimental import pallas as pl
from jax.experimental.pallas import tpu as pltpu
from jax.experimental.pallas import tpu_sc as plsc

_SKY_ID = 142
_LOSS_WEIGHT = 0.1
_REGRESS_VALUE = 1.8
_EPS = 1e-06

_B, _H, _W = 4, 512, 512

_NC, _NS, _L = 2, 16, 16
_NW = _NC * _NS
_WPB = _NW // _B
_SC_ROWS = 8
_R0_SC = _H - _WPB * _SC_ROWS
_UNROLL = 2
_GCOLS = _UNROLL * _L

_R_TC = 224

_mesh = plsc.VectorSubcoreMesh(core_axis_name="c", subcore_axis_name="s")


def _rsqrt(nsq):
    seed = jnp.int32(0x5F3759DF) - (lax.bitcast_convert_type(nsq, jnp.int32) >> 1)
    r = lax.bitcast_convert_type(seed, jnp.float32)
    h = 0.5 * nsq
    r = r * (1.5 - h * r * r)
    r = r * (1.5 - h * r * r)
    return r


@functools.partial(
    pl.kernel,
    mesh=_mesh,
    out_type=jax.ShapeDtypeStruct((_NW, 3 * _L), jnp.float32),
    scratch_types=[
        pltpu.VMEM((_SC_ROWS, _W), jnp.float32),
        pltpu.VMEM((_SC_ROWS, _W), jnp.int32),
        pltpu.VMEM((_SC_ROWS, _W), jnp.float32),
        pltpu.VMEM((_SC_ROWS, _W), jnp.float32),
        pltpu.VMEM((_SC_ROWS, _W), jnp.float32),
        pltpu.VMEM((3 * _L,), jnp.float32),
        pltpu.SemaphoreType.DMA,
    ],
)
def _sky_sc(pred_hbm, sem_hbm, nrm_hbm, out_hbm,
            pb, sb, xb, yb, zb, accb, dsem):
    wid = lax.axis_index("c") * _NS + lax.axis_index("s")
    b = wid >> 3
    rr = _R0_SC + (wid & 7) * _SC_ROWS
    prow = b * _H + rr
    nrow = (3 * b) * _H + rr

    cps = [
        pltpu.async_copy(pred_hbm.at[pl.ds(prow, _SC_ROWS), :], pb, dsem),
        pltpu.async_copy(sem_hbm.at[pl.ds(prow, _SC_ROWS), :], sb, dsem),
        pltpu.async_copy(nrm_hbm.at[pl.ds(nrow, _SC_ROWS), :], xb, dsem),
        pltpu.async_copy(nrm_hbm.at[pl.ds(nrow + _H, _SC_ROWS), :], yb, dsem),
        pltpu.async_copy(nrm_hbm.at[pl.ds(nrow + 2 * _H, _SC_ROWS), :], zb, dsem),
    ]
    for cp in cps:
        cp.wait()

    def body(g, carry):
        r = g >> 4
        c0 = (g & 15) * _GCOLS
        new = list(carry)
        for u in range(_UNROLL):
            cols = pl.ds(c0 + u * _L, _L)
            cnt, l1, al = new[3 * u], new[3 * u + 1], new[3 * u + 2]
            sky = sb[r, cols] == _SKY_ID
            p = pb[r, cols]
            x = xb[r, cols]
            y = yb[r, cols]
            z = zb[r, cols]
            cnt = cnt + jnp.where(sky, 1.0, 0.0).astype(jnp.float32)
            l1 = l1 + jnp.where(sky, jnp.abs(p - _REGRESS_VALUE), 0.0)
            nsq = jnp.maximum(x * x + y * y + z * z, 1e-16)
            e = y * _rsqrt(nsq)
            valid = sky & (e > -0.999) & (e < 0.999)
            al = al + jnp.where(valid, 1.0 + e, 0.0)
            new[3 * u], new[3 * u + 1], new[3 * u + 2] = cnt, l1, al
        return tuple(new)

    zero = jnp.zeros((_L,), jnp.float32)
    ngroups = _SC_ROWS * (_W // _GCOLS)
    carry = lax.fori_loop(0, ngroups, body, (zero,) * (3 * _UNROLL))

    accb[pl.ds(0, _L)] = carry[0] + carry[3]
    accb[pl.ds(_L, _L)] = carry[1] + carry[4]
    accb[pl.ds(2 * _L, _L)] = carry[2] + carry[5]
    pltpu.sync_copy(accb, out_hbm.at[wid])


def _sky_tc_body(pred_ref, sem_ref, nrm_ref, out_ref):
    first = (pl.program_id(0) == 0) & (pl.program_id(1) == 0)

    @pl.when(first)
    def _():
        out_ref[0] = 0.0
        out_ref[1] = 0.0
        out_ref[2] = 0.0

    sky = sem_ref[...] == _SKY_ID
    skyf = sky.astype(jnp.float32)
    p = pred_ref[...]
    x = nrm_ref[0, 0]
    y = nrm_ref[0, 1]
    z = nrm_ref[0, 2]
    nsq = jnp.maximum(x * x + y * y + z * z, 1e-16)
    e = y * lax.rsqrt(nsq)
    validf = skyf[0] * ((e > -0.999) & (e < 0.999)).astype(jnp.float32)
    out_ref[0] += jnp.sum(skyf)
    out_ref[1] += jnp.sum(jnp.abs(p - _REGRESS_VALUE) * skyf)
    out_ref[2] += jnp.sum((1.0 + e) * validf)


_sky_tc = pl.pallas_call(
    _sky_tc_body,
    grid=(_B, _R0_SC // _R_TC),
    in_specs=[
        pl.BlockSpec((1, _R_TC, _W), lambda b, i: (b, i, 0)),
        pl.BlockSpec((1, _R_TC, _W), lambda b, i: (b, i, 0)),
        pl.BlockSpec((1, 3, _R_TC, _W), lambda b, i: (b, 0, i, 0)),
    ],
    out_specs=pl.BlockSpec(memory_space=pltpu.SMEM),
    out_shape=jax.ShapeDtypeStruct((3,), jnp.float32),
    compiler_params=pltpu.CompilerParams(
        dimension_semantics=("arbitrary", "arbitrary")),
)


def kernel(prediction, target, prediction_normal, mask, sem_mask):
    del target, mask
    sem = sem_mask.astype(jnp.int32)
    pred2d = prediction.reshape(_B * _H, _W)
    sem2d = sem.reshape(_B * _H, _W)
    nrm2d = prediction_normal.reshape(_B * 3 * _H, _W)
    sc_parts = _sky_sc(pred2d, sem2d, nrm2d)
    tc_parts = _sky_tc(prediction, sem, prediction_normal)
    sc_sums = sc_parts.reshape(_NW, 3, _L).sum(axis=(0, 2))
    cnt = sc_sums[0] + tc_parts[0]
    l1 = sc_sums[1] + tc_parts[1]
    al = sc_sums[2] + tc_parts[2]
    loss = (l1 + al) / (cnt + _EPS)
    loss = jnp.where(cnt > 0, loss, jnp.float32(0.0))
    loss = jnp.where(jnp.isnan(loss) | jnp.isinf(loss), jnp.float32(0.0), loss)
    return loss * _LOSS_WEIGHT

# --- scband reference (transcript-rebuilt; emitter-appended) ---
"""Pipeline reference for scband-sky-regularization-loss-64742337020650 (READ-ONLY COPY).

The authoritative reference and input builder live on the scoring server;
editing this copy changes nothing except your own understanding.
"""

import jax, jax.numpy as jnp
import numpy as np

SKY_ID = 142
LOSS_WEIGHT = 0.1
REGRESS_VALUE = 1.8
NORMAL_REGRESS = [0.0, -1.0, 0.0]
NORMAL_WEIGHT = 1.0
EPS = 1e-06


def setup_inputs(seed: int = 0) -> dict:
    key = jax.random.key(seed)
    k1, k2, k3, k4 = jax.random.split(key, 4)
    B, H, W = 4, 512, 512
    prediction = jax.random.uniform(k1, (B, H, W), dtype=jnp.float32)
    target = jax.random.uniform(k2, (B, H, W), dtype=jnp.float32)
    prediction_normal = jax.random.normal(k3, (B, 3, H, W), dtype=jnp.float32)
    mask = jnp.ones((B, H, W), dtype=bool)
    sem_mask = jax.random.randint(k4, (B, H, W), 0, 200, dtype=jnp.int64)
    return {
        'prediction': prediction,
        'target': target,
        'prediction_normal': prediction_normal,
        'mask': mask,
        'sem_mask': sem_mask,
    }


def _cosine_similarity_dim1(x, y):
    # torch.cosine_similarity(x, y, dim=1) with eps=1e-8
    num = jnp.sum(x * y, axis=1)
    den = jnp.sqrt(jnp.sum(x * x, axis=1)) * jnp.sqrt(jnp.sum(y * y, axis=1))
    return num / jnp.maximum(den, 1e-8)


def reference(prediction, target, prediction_normal, mask, sem_mask):
    sky_mask = (sem_mask == SKY_ID)
    sky_mask_float = sky_mask.astype(jnp.float32)
    count = jnp.sum(sky_mask_float)  # == pred_sky.numel()

    # loss2: sum(|pred_sky - regress_value|) / (numel + eps), expressed via mask
    loss2 = jnp.sum(jnp.abs(prediction - REGRESS_VALUE) * sky_mask_float) / (count + EPS)

    # loss_norm
    sky_norm = jnp.asarray(NORMAL_REGRESS, dtype=jnp.float32).reshape(1, 3, 1, 1)
    pn = prediction_normal[:, :3, :, :]
    dot = _cosine_similarity_dim1(pn, sky_norm)
    dot_det = jax.lax.stop_gradient(dot)
    valid_mask = sky_mask_float * (dot_det < 0.999).astype(jnp.float32) * (dot_det > -0.999).astype(jnp.float32)
    al = (1.0 - dot) * valid_mask
    loss_normal = jnp.sum(al) / (count + EPS)

    loss_if_sky = loss2 + loss_normal * NORMAL_WEIGHT
    loss_if_empty = jnp.sum(prediction) * 0.0
    loss = jnp.where(count > 0, loss_if_sky, loss_if_empty)
    loss = jnp.where(jnp.isnan(loss) | jnp.isinf(loss), jnp.sum(prediction) * 0.0, loss)
    return loss * LOSS_WEIGHT

if __name__ == "__main__":
    import jax
    _d = setup_inputs()
    print(jax.jit(kernel)(*tuple(_d.values())))

</pallas_src>

<mosaic_0001>
#map = affine_map<(d0, d1) -> (0, 0)>
module attributes {stable_mosaic.version = 14 : i64} {
  func.func @_sky_sc(%arg0: i32, %arg1: i32, %arg2: memref<2048x512xf32, #tpu.memory_space<hbm>>, %arg3: memref<2048x512xi32, #tpu.memory_space<hbm>>, %arg4: memref<6144x512xf32, #tpu.memory_space<hbm>>, %arg5: memref<32x48xf32, #tpu.memory_space<hbm>>, %arg6: memref<8x512xf32, #tpu.memory_space<vmem>>, %arg7: memref<8x512xi32, #tpu.memory_space<vmem>>, %arg8: memref<8x512xf32, #tpu.memory_space<vmem>>, %arg9: memref<8x512xf32, #tpu.memory_space<vmem>>, %arg10: memref<8x512xf32, #tpu.memory_space<vmem>>, %arg11: memref<48xf32, #tpu.memory_space<vmem>>, %arg12: memref<!tpu.dma_semaphore, #tpu.memory_space<semaphore_mem>>) attributes {dimension_semantics = [#tpu.dimension_semantics<core_parallel>, #tpu.dimension_semantics<subcore_parallel>], iteration_bounds = array<i64: 2, 16>, scalar_prefetch = 0 : i64, scratch_operands = 7 : i64, tpu.core_type = #tpu.core_type<sc_vector_subcore>, window_params = [{transform_indices = #map}, {transform_indices = #map}, {transform_indices = #map}, {transform_indices = #map}]} {
    %mul3A = arith.constant 16 : i32
    %mul3A_0 = arith.muli %arg0, %mul3A : i32
    %add3A = arith.addi %mul3A_0, %arg1 : i32
    %shift_right_arithmetic3A = arith.constant 3 : i32
    %shift_right_arithmetic3A_1 = arith.shrsi %add3A, %shift_right_arithmetic3A : i32
    %and3A = arith.constant 7 : i32
    %and3A_2 = arith.andi %add3A, %and3A : i32
    %mul3A_3 = arith.constant 8 : i32
    %mul3A_4 = arith.muli %and3A_2, %mul3A_3 : i32
    %add3A_5 = arith.constant 448 : i32
    %add3A_6 = arith.addi %add3A_5, %mul3A_4 : i32
    %mul3A_7 = arith.constant 512 : i32
    %mul3A_8 = arith.muli %shift_right_arithmetic3A_1, %mul3A_7 : i32
    %add3A_9 = arith.addi %mul3A_8, %add3A_6 : i32
    %mul3A_10 = arith.constant 3 : i32
    %mul3A_11 = arith.muli %mul3A_10, %shift_right_arithmetic3A_1 : i32
    %mul3A_12 = arith.constant 512 : i32
    %mul3A_13 = arith.muli %mul3A_11, %mul3A_12 : i32
    %add3A_14 = arith.addi %mul3A_13, %add3A_6 : i32
    %dma_start3A = arith.constant 0 : i32
    %dma_start3A_15 = tpu.memref_slice %arg2[%add3A_9, %dma_start3A] : memref<2048x512xf32, #tpu.memory_space<hbm>> -> memref<8x512xf32, #tpu.memory_space<hbm>>
    %dma_start3A_16 = arith.constant 0 : i32
    %dma_start3A_17 = tpu.memref_slice %arg2[%add3A_9, %dma_start3A_16] : memref<2048x512xf32, #tpu.memory_space<hbm>> -> memref<8x512xf32, #tpu.memory_space<hbm>>
    tpu.enqueue_dma source(%dma_start3A_17 : memref<8x512xf32, #tpu.memory_space<hbm>>) target(%arg6 : memref<8x512xf32, #tpu.memory_space<vmem>>) target_semaphore(%arg12 : memref<!tpu.dma_semaphore, #tpu.memory_space<semaphore_mem>>)
    %dma_start3A_18 = arith.constant 0 : i32
    %dma_start3A_19 = tpu.memref_slice %arg3[%add3A_9, %dma_start3A_18] : memref<2048x512xi32, #tpu.memory_space<hbm>> -> memref<8x512xi32, #tpu.memory_space<hbm>>
    %dma_start3A_20 = arith.constant 0 : i32
    %dma_start3A_21 = tpu.memref_slice %arg3[%add3A_9, %dma_start3A_20] : memref<2048x512xi32, #tpu.memory_space<hbm>> -> memref<8x512xi32, #tpu.memory_space<hbm>>
    tpu.enqueue_dma source(%dma_start3A_21 : memref<8x512xi32, #tpu.memory_space<hbm>>) target(%arg7 : memref<8x512xi32, #tpu.memory_space<vmem>>) target_semaphore(%arg12 : memref<!tpu.dma_semaphore, #tpu.memory_space<semaphore_mem>>)
    %dma_start3A_22 = arith.constant 0 : i32
    %dma_start3A_23 = tpu.memref_slice %arg4[%add3A_14, %dma_start3A_22] : memref<6144x512xf32, #tpu.memory_space<hbm>> -> memref<8x512xf32, #tpu.memory_space<hbm>>
    %dma_start3A_24 = arith.constant 0 : i32
    %dma_start3A_25 = tpu.memref_slice %arg4[%add3A_14, %dma_start3A_24] : memref<6144x512xf32, #tpu.memory_space<hbm>> -> memref<8x512xf32, #tpu.memory_space<hbm>>
    tpu.enqueue_dma source(%dma_start3A_25 : memref<8x512xf32, #tpu.memory_space<hbm>>) target(%arg8 : memref<8x512xf32, #tpu.memory_space<vmem>>) target_semaphore(%arg12 : memref<!tpu.dma_semaphore, #tpu.memory_space<semaphore_mem>>)
    %add3A_26 = arith.constant 512 : i32
    %add3A_27 = arith.addi %add3A_14, %add3A_26 : i32
    %dma_start3A_28 = arith.constant 0 : i32
    %dma_start3A_29 = tpu.memref_slice %arg4[%add3A_27, %dma_start3A_28] : memref<6144x512xf32, #tpu.memory_space<hbm>> -> memref<8x512xf32, #tpu.memory_space<hbm>>
    %dma_start3A_30 = arith.constant 0 : i32
    %dma_start3A_31 = tpu.memref_slice %arg4[%add3A_27, %dma_start3A_30] : memref<6144x512xf32, #tpu.memory_space<hbm>> -> memref<8x512xf32, #tpu.memory_space<hbm>>
    tpu.enqueue_dma source(%dma_start3A_31 : memref<8x512xf32, #tpu.memory_space<hbm>>) target(%arg9 : memref<8x512xf32, #tpu.memory_space<vmem>>) target_semaphore(%arg12 : memref<!tpu.dma_semaphore, #tpu.memory_space<semaphore_mem>>)
    %add3A_32 = arith.constant 1024 : i32
    %add3A_33 = arith.addi %add3A_14, %add3A_32 : i32
    %dma_start3A_34 = arith.constant 0 : i32
    %dma_start3A_35 = tpu.memref_slice %arg4[%add3A_33, %dma_start3A_34] : memref<6144x512xf32, #tpu.memory_space<hbm>> -> memref<8x512xf32, #tpu.memory_space<hbm>>
    %dma_start3A_36 = arith.constant 0 : i32
    %dma_start3A_37 = tpu.memref_slice %arg4[%add3A_33, %dma_start3A_36] : memref<6144x512xf32, #tpu.memory_space<hbm>> -> memref<8x512xf32, #tpu.memory_space<hbm>>
    tpu.enqueue_dma source(%dma_start3A_37 : memref<8x512xf32, #tpu.memory_space<hbm>>) target(%arg10 : memref<8x512xf32, #tpu.memory_space<vmem>>) target_semaphore(%arg12 : memref<!tpu.dma_semaphore, #tpu.memory_space<semaphore_mem>>)
    %dma_wait3A = arith.constant 0 : i32
    %dma_wait3A_38 = tpu.memref_slice %arg2[%add3A_9, %dma_wait3A] : memref<2048x512xf32, #tpu.memory_space<hbm>> -> memref<8x512xf32, #tpu.memory_space<hbm>>
    %dma_wait3A_39 = arith.constant 0 : i32
    %dma_wait3A_40 = tpu.memref_slice %arg2[%add3A_9, %dma_wait3A_39] : memref<2048x512xf32, #tpu.memory_space<hbm>> -> memref<8x512xf32, #tpu.memory_space<hbm>>
    tpu.wait_dma2 semaphore(%arg12 : memref<!tpu.dma_semaphore, #tpu.memory_space<semaphore_mem>>) src(%dma_wait3A_40 : memref<8x512xf32, #tpu.memory_space<hbm>>) dst(%arg6 : memref<8x512xf32, #tpu.memory_space<vmem>>)
    %dma_wait3A_41 = arith.constant 0 : i32
    %dma_wait3A_42 = tpu.memref_slice %arg3[%add3A_9, %dma_wait3A_41] : memref<2048x512xi32, #tpu.memory_space<hbm>> -> memref<8x512xi32, #tpu.memory_space<hbm>>
    %dma_wait3A_43 = arith.constant 0 : i32
    %dma_wait3A_44 = tpu.memref_slice %arg3[%add3A_9, %dma_wait3A_43] : memref<2048x512xi32, #tpu.memory_space<hbm>> -> memref<8x512xi32, #tpu.memory_space<hbm>>
    tpu.wait_dma2 semaphore(%arg12 : memref<!tpu.dma_semaphore, #tpu.memory_space<semaphore_mem>>) src(%dma_wait3A_44 : memref<8x512xi32, #tpu.memory_space<hbm>>) dst(%arg7 : memref<8x512xi32, #tpu.memory_space<vmem>>)
    %dma_wait3A_45 = arith.constant 0 : i32
    %dma_wait3A_46 = tpu.memref_slice %arg4[%add3A_14, %dma_wait3A_45] : memref<6144x512xf32, #tpu.memory_space<hbm>> -> memref<8x512xf32, #tpu.memory_space<hbm>>
    %dma_wait3A_47 = arith.constant 0 : i32
    %dma_wait3A_48 = tpu.memref_slice %arg4[%add3A_14, %dma_wait3A_47] : memref<6144x512xf32, #tpu.memory_space<hbm>> -> memref<8x512xf32, #tpu.memory_space<hbm>>
    tpu.wait_dma2 semaphore(%arg12 : memref<!tpu.dma_semaphore, #tpu.memory_space<semaphore_mem>>) src(%dma_wait3A_48 : memref<8x512xf32, #tpu.memory_space<hbm>>) dst(%arg8 : memref<8x512xf32, #tpu.memory_space<vmem>>)
    %dma_wait3A_49 = arith.constant 0 : i32
    %dma_wait3A_50 = tpu.memref_slice %arg4[%add3A_27, %dma_wait3A_49] : memref<6144x512xf32, #tpu.memory_space<hbm>> -> memref<8x512xf32, #tpu.memory_space<hbm>>
    %dma_wait3A_51 = arith.constant 0 : i32
    %dma_wait3A_52 = tpu.memref_slice %arg4[%add3A_27, %dma_wait3A_51] : memref<6144x512xf32, #tpu.memory_space<hbm>> -> memref<8x512xf32, #tpu.memory_space<hbm>>
    tpu.wait_dma2 semaphore(%arg12 : memref<!tpu.dma_semaphore, #tpu.memory_space<semaphore_mem>>) src(%dma_wait3A_52 : memref<8x512xf32, #tpu.memory_space<hbm>>) dst(%arg9 : memref<8x512xf32, #tpu.memory_space<vmem>>)
    %dma_wait3A_53 = arith.constant 0 : i32
    %dma_wait3A_54 = tpu.memref_slice %arg4[%add3A_33, %dma_wait3A_53] : memref<6144x512xf32, #tpu.memory_space<hbm>> -> memref<8x512xf32, #tpu.memory_space<hbm>>
    %dma_wait3A_55 = arith.constant 0 : i32
    %dma_wait3A_56 = tpu.memref_slice %arg4[%add3A_33, %dma_wait3A_55] : memref<6144x512xf32, #tpu.memory_space<hbm>> -> memref<8x512xf32, #tpu.memory_space<hbm>>
    tpu.wait_dma2 semaphore(%arg12 : memref<!tpu.dma_semaphore, #tpu.memory_space<semaphore_mem>>) src(%dma_wait3A_56 : memref<8x512xf32, #tpu.memory_space<hbm>>) dst(%arg10 : memref<8x512xf32, #tpu.memory_space<vmem>>)
    %broadcast_in_dim3A = arith.constant 0.000000e+00 : f32
    %broadcast_in_dim3A_57 = vector.broadcast %broadcast_in_dim3A : f32 to vector<16xf32>
    %scan3A = arith.constant 0 : i32
    %scan3A_58 = arith.constant 128 : i32
    %scan3A_59 = arith.addi %scan3A, %scan3A_58 : i32
    %scan3A_60 = arith.constant 1 : i32
    %scan3A_61:6 = scf.for %scan3A_77 = %scan3A to %scan3A_59 step %scan3A_60 iter_args(%scan3A_78 = %broadcast_in_dim3A_57, %scan3A_79 = %broadcast_in_dim3A_57, %scan3A_80 = %broadcast_in_dim3A_57, %scan3A_81 = %broadcast_in_dim3A_57, %scan3A_82 = %broadcast_in_dim3A_57, %scan3A_83 = %broadcast_in_dim3A_57) -> (vector<16xf32>, vector<16xf32>, vector<16xf32>, vector<16xf32>, vector<16xf32>, vector<16xf32>)  : i32 {
      %shift_right_arithmetic3A_84 = arith.constant 4 : i32
      %shift_right_arithmetic3A_85 = arith.shrsi %scan3A_77, %shift_right_arithmetic3A_84 : i32
      %and3A_86 = arith.constant 15 : i32
      %and3A_87 = arith.andi %scan3A_77, %and3A_86 : i32
      %mul3A_88 = arith.constant 32 : i32
      %mul3A_89 = arith.muli %and3A_87, %mul3A_88 : i32
      %add3A_90 = arith.constant 0 : i32
      %add3A_91 = arith.addi %mul3A_89, %add3A_90 : i32
      %get3A = arith.index_cast %shift_right_arithmetic3A_85 : i32 to index
      %get3A_92 = arith.index_cast %add3A_91 : i32 to index
      %get3A_93 = tpu.vector_load %arg7[%get3A, %get3A_92] {strides = array<i32>} : memref<8x512xi32, #tpu.memory_space<vmem>>, vector<1x16xi32>,
      %get3A_94 = vector.shape_cast %get3A_93 : vector<1x16xi32> to vector<16xi32>
      %eq3A = arith.constant 142 : i32
      %eq3A_95 = vector.broadcast %eq3A : i32 to vector<16xi32>
      %eq3A_96 = arith.cmpi eq, %get3A_94, %eq3A_95 : vector<16xi32>
      %get3A_97 = arith.index_cast %shift_right_arithmetic3A_85 : i32 to index
      %get3A_98 = arith.index_cast %add3A_91 : i32 to index
      %get3A_99 = tpu.vector_load %arg6[%get3A_97, %get3A_98] {strides = array<i32>} : memref<8x512xf32, #tpu.memory_space<vmem>>, vector<1x16xf32>,
      %get3A_100 = vector.shape_cast %get3A_99 : vector<1x16xf32> to vector<16xf32>
      %get3A_101 = arith.index_cast %shift_right_arithmetic3A_85 : i32 to index
      %get3A_102 = arith.index_cast %add3A_91 : i32 to index
      %get3A_103 = tpu.vector_load %arg8[%get3A_101, %get3A_102] {strides = array<i32>} : memref<8x512xf32, #tpu.memory_space<vmem>>, vector<1x16xf32>,
      %get3A_104 = vector.shape_cast %get3A_103 : vector<1x16xf32> to vector<16xf32>
      %get3A_105 = arith.index_cast %shift_right_arithmetic3A_85 : i32 to index
      %get3A_106 = arith.index_cast %add3A_91 : i32 to index
      %get3A_107 = tpu.vector_load %arg9[%get3A_105, %get3A_106] {strides = array<i32>} : memref<8x512xf32, #tpu.memory_space<vmem>>, vector<1x16xf32>,
      %get3A_108 = vector.shape_cast %get3A_107 : vector<1x16xf32> to vector<16xf32>
      %get3A_109 = arith.index_cast %shift_right_arithmetic3A_85 : i32 to index
      %get3A_110 = arith.index_cast %add3A_91 : i32 to index
      %get3A_111 = tpu.vector_load %arg10[%get3A_109, %get3A_110] {strides = array<i32>} : memref<8x512xf32, #tpu.memory_space<vmem>>, vector<1x16xf32>,
      %get3A_112 = vector.shape_cast %get3A_111 : vector<1x16xf32> to vector<16xf32>
      %jit3A = arith.constant 1.000000e+00 : f32
      %jit3A_113 = arith.constant 0.000000e+00 : f32
      %broadcast_in_dim3A_114 = vector.broadcast %jit3A : f32 to vector<16xf32>
      %broadcast_in_dim3A_115 = vector.broadcast %jit3A_113 : f32 to vector<16xf32>
      %select_n3A = arith.select %eq3A_96, %broadcast_in_dim3A_114, %broadcast_in_dim3A_115 : vector<16xi1>, vector<16xf32>
      %add3A_116 = arith.addf %scan3A_78, %select_n3A : vector<16xf32>
      %sub3A = arith.constant 1.800000e+00 : f32
      %sub3A_117 = vector.broadcast %sub3A : f32 to vector<16xf32>
      %sub3A_118 = arith.subf %get3A_100, %sub3A_117 : vector<16xf32>
      %abs3A = math.absf %sub3A_118 : vector<16xf32>
      %jit3A_119 = arith.constant 0.000000e+00 : f32
      %broadcast_in_dim3A_120 = vector.broadcast %jit3A_119 : f32 to vector<16xf32>
      %select_n3A_121 = arith.select %eq3A_96, %abs3A, %broadcast_in_dim3A_120 : vector<16xi1>, vector<16xf32>
      %add3A_122 = arith.addf %scan3A_79, %select_n3A_121 : vector<16xf32>
      %mul3A_123 = arith.mulf %get3A_104, %get3A_104 : vector<16xf32>
      %mul3A_124 = arith.mulf %get3A_108, %get3A_108 : vector<16xf32>
      %add3A_125 = arith.addf %mul3A_123, %mul3A_124 : vector<16xf32>
      %mul3A_126 = arith.mulf %get3A_112, %get3A_112 : vector<16xf32>
      %add3A_127 = arith.addf %add3A_125, %mul3A_126 : vector<16xf32>
      %max3A = arith.constant 1.000000e-16 : f32
      %max3A_128 = vector.broadcast %max3A : f32 to vector<16xf32>
      %max3A_129 = arith.maximumf %add3A_127, %max3A_128 : vector<16xf32>
      %bitcast_convert_type3A = tpu.bitcast %max3A_129 : vector<16xf32> -> vector<16xi32>
      %shift_right_arithmetic3A_130 = arith.constant 1 : i32
      %shift_right_arithmetic3A_131 = vector.broadcast %shift_right_arithmetic3A_130 : i32 to vector<16xi32>
      %shift_right_arithmetic3A_132 = arith.shrsi %bitcast_convert_type3A, %shift_right_arithmetic3A_131 : vector<16xi32>
      %sub3A_133 = arith.constant 1597463007 : i32
      %sub3A_134 = vector.broadcast %sub3A_133 : i32 to vector<16xi32>
      %sub3A_135 = arith.subi %sub3A_134, %shift_right_arithmetic3A_132 : vector<16xi32>
      %bitcast_convert_type3A_136 = tpu.bitcast %sub3A_135 : vector<16xi32> -> vector<16xf32>
      %mul3A_137 = arith.constant 5.000000e-01 : f32
      %mul3A_138 = vector.broadcast %mul3A_137 : f32 to vector<16xf32>
      %mul3A_139 = arith.mulf %mul3A_138, %max3A_129 : vector<16xf32>
      %mul3A_140 = arith.mulf %mul3A_139, %bitcast_convert_type3A_136 : vector<16xf32>
      %mul3A_141 = arith.mulf %mul3A_140, %bitcast_convert_type3A_136 : vector<16xf32>
      %sub3A_142 = arith.constant 1.500000e+00 : f32
      %sub3A_143 = vector.broadcast %sub3A_142 : f32 to vector<16xf32>
      %sub3A_144 = arith.subf %sub3A_143, %mul3A_141 : vector<16xf32>
      %mul3A_145 = arith.mulf %bitcast_convert_type3A_136, %sub3A_144 : vector<16xf32>
      %mul3A_146 = arith.mulf %mul3A_139, %mul3A_145 : vector<16xf32>
      %mul3A_147 = arith.mulf %mul3A_146, %mul3A_145 : vector<16xf32>
      %sub3A_148 = arith.constant 1.500000e+00 : f32
      %sub3A_149 = vector.broadcast %sub3A_148 : f32 to vector<16xf32>
      %sub3A_150 = arith.subf %sub3A_149, %mul3A_147 : vector<16xf32>
      %mul3A_151 = arith.mulf %mul3A_145, %sub3A_150 : vector<16xf32>
      %mul3A_152 = arith.mulf %get3A_108, %mul3A_151 : vector<16xf32>
      %gt3A = arith.constant -9.990000e-01 : f32
      %gt3A_153 = vector.broadcast %gt3A : f32 to vector<16xf32>
      %gt3A_154 = arith.cmpf ogt, %mul3A_152, %gt3A_153 : vector<16xf32>
      %and3A_155 = arith.andi %eq3A_96, %gt3A_154 : vector<16xi1>
      %lt3A = arith.constant 9.990000e-01 : f32
      %lt3A_156 = vector.broadcast %lt3A : f32 to vector<16xf32>
      %lt3A_157 = arith.cmpf olt, %mul3A_152, %lt3A_156 : vector<16xf32>
      %and3A_158 = arith.andi %and3A_155, %lt3A_157 : vector<16xi1>
      %add3A_159 = arith.constant 1.000000e+00 : f32
      %add3A_160 = vector.broadcast %add3A_159 : f32 to vector<16xf32>
      %add3A_161 = arith.addf %add3A_160, %mul3A_152 : vector<16xf32>
      %jit3A_162 = arith.constant 0.000000e+00 : f32
      %broadcast_in_dim3A_163 = vector.broadcast %jit3A_162 : f32 to vector<16xf32>
      %select_n3A_164 = arith.select %and3A_158, %add3A_161, %broadcast_in_dim3A_163 : vector<16xi1>, vector<16xf32>
      %add3A_165 = arith.addf %scan3A_80, %select_n3A_164 : vector<16xf32>
      %add3A_166 = arith.constant 16 : i32
      %add3A_167 = arith.addi %mul3A_89, %add3A_166 : i32
      %get3A_168 = arith.index_cast %shift_right_arithmetic3A_85 : i32 to index
      %get3A_169 = arith.index_cast %add3A_167 : i32 to index
      %get3A_170 = tpu.vector_load %arg7[%get3A_168, %get3A_169] {strides = array<i32>} : memref<8x512xi32, #tpu.memory_space<vmem>>, vector<1x16xi32>,
      %get3A_171 = vector.shape_cast %get3A_170 : vector<1x16xi32> to vector<16xi32>
      %eq3A_172 = arith.constant 142 : i32
      %eq3A_173 = vector.broadcast %eq3A_172 : i32 to vector<16xi32>
      %eq3A_174 = arith.cmpi eq, %get3A_171, %eq3A_173 : vector<16xi32>
      %get3A_175 = arith.index_cast %shift_right_arithmetic3A_85 : i32 to index
      %get3A_176 = arith.index_cast %add3A_167 : i32 to index
      %get3A_177 = tpu.vector_load %arg6[%get3A_175, %get3A_176] {strides = array<i32>} : memref<8x512xf32, #tpu.memory_space<vmem>>, vector<1x16xf32>,
      %get3A_178 = vector.shape_cast %get3A_177 : vector<1x16xf32> to vector<16xf32>
      %get3A_179 = arith.index_cast %shift_right_arithmetic3A_85 : i32 to index
      %get3A_180 = arith.index_cast %add3A_167 : i32 to index
      %get3A_181 = tpu.vector_load %arg8[%get3A_179, %get3A_180] {strides = array<i32>} : memref<8x512xf32, #tpu.memory_space<vmem>>, vector<1x16xf32>,
      %get3A_182 = vector.shape_cast %get3A_181 : vector<1x16xf32> to vector<16xf32>
      %get3A_183 = arith.index_cast %shift_right_arithmetic3A_85 : i32 to index
      %get3A_184 = arith.index_cast %add3A_167 : i32 to index
      %get3A_185 = tpu.vector_load %arg9[%get3A_183, %get3A_184] {strides = array<i32>} : memref<8x512xf32, #tpu.memory_space<vmem>>, vector<1x16xf32>,
      %get3A_186 = vector.shape_cast %get3A_185 : vector<1x16xf32> to vector<16xf32>
      %get3A_187 = arith.index_cast %shift_right_arithmetic3A_85 : i32 to index
      %get3A_188 = arith.index_cast %add3A_167 : i32 to index
      %get3A_189 = tpu.vector_load %arg10[%get3A_187, %get3A_188] {strides = array<i32>} : memref<8x512xf32, #tpu.memory_space<vmem>>, vector<1x16xf32>,
      %get3A_190 = vector.shape_cast %get3A_189 : vector<1x16xf32> to vector<16xf32>
      %jit3A_191 = arith.constant 1.000000e+00 : f32
      %jit3A_192 = arith.constant 0.000000e+00 : f32
      %broadcast_in_dim3A_193 = vector.broadcast %jit3A_191 : f32 to vector<16xf32>
      %broadcast_in_dim3A_194 = vector.broadcast %jit3A_192 : f32 to vector<16xf32>
      %select_n3A_195 = arith.select %eq3A_174, %broadcast_in_dim3A_193, %broadcast_in_dim3A_194 : vector<16xi1>, vector<16xf32>
      %add3A_196 = arith.addf %scan3A_81, %select_n3A_195 : vector<16xf32>
      %sub3A_197 = arith.constant 1.800000e+00 : f32
      %sub3A_198 = vector.broadcast %sub3A_197 : f32 to vector<16xf32>
      %sub3A_199 = arith.subf %get3A_178, %sub3A_198 : vector<16xf32>
      %abs3A_200 = math.absf %sub3A_199 : vector<16xf32>
      %jit3A_201 = arith.constant 0.000000e+00 : f32
      %broadcast_in_dim3A_202 = vector.broadcast %jit3A_201 : f32 to vector<16xf32>
      %select_n3A_203 = arith.select %eq3A_174, %abs3A_200, %broadcast_in_dim3A_202 : vector<16xi1>, vector<16xf32>
      %add3A_204 = arith.addf %scan3A_82, %select_n3A_203 : vector<16xf32>
      %mul3A_205 = arith.mulf %get3A_182, %get3A_182 : vector<16xf32>
      %mul3A_206 = arith.mulf %get3A_186, %get3A_186 : vector<16xf32>
      %add3A_207 = arith.addf %mul3A_205, %mul3A_206 : vector<16xf32>
      %mul3A_208 = arith.mulf %get3A_190, %get3A_190 : vector<16xf32>
      %add3A_209 = arith.addf %add3A_207, %mul3A_208 : vector<16xf32>
      %max3A_210 = arith.constant 1.000000e-16 : f32
      %max3A_211 = vector.broadcast %max3A_210 : f32 to vector<16xf32>
      %max3A_212 = arith.maximumf %add3A_209, %max3A_211 : vector<16xf32>
      %bitcast_convert_type3A_213 = tpu.bitcast %max3A_212 : vector<16xf32> -> vector<16xi32>
      %shift_right_arithmetic3A_214 = arith.constant 1 : i32
      %shift_right_arithmetic3A_215 = vector.broadcast %shift_right_arithmetic3A_214 : i32 to vector<16xi32>
      %shift_right_arithmetic3A_216 = arith.shrsi %bitcast_convert_type3A_213, %shift_right_arithmetic3A_215 : vector<16xi32>
      %sub3A_217 = arith.constant 1597463007 : i32
      %sub3A_218 = vector.broadcast %sub3A_217 : i32 to vector<16xi32>
      %sub3A_219 = arith.subi %sub3A_218, %shift_right_arithmetic3A_216 : vector<16xi32>
      %bitcast_convert_type3A_220 = tpu.bitcast %sub3A_219 : vector<16xi32> -> vector<16xf32>
      %mul3A_221 = arith.constant 5.000000e-01 : f32
      %mul3A_222 = vector.broadcast %mul3A_221 : f32 to vector<16xf32>
      %mul3A_223 = arith.mulf %mul3A_222, %max3A_212 : vector<16xf32>
      %mul3A_224 = arith.mulf %mul3A_223, %bitcast_convert_type3A_220 : vector<16xf32>
      %mul3A_225 = arith.mulf %mul3A_224, %bitcast_convert_type3A_220 : vector<16xf32>
      %sub3A_226 = arith.constant 1.500000e+00 : f32
      %sub3A_227 = vector.broadcast %sub3A_226 : f32 to vector<16xf32>
      %sub3A_228 = arith.subf %sub3A_227, %mul3A_225 : vector<16xf32>
      %mul3A_229 = arith.mulf %bitcast_convert_type3A_220, %sub3A_228 : vector<16xf32>
      %mul3A_230 = arith.mulf %mul3A_223, %mul3A_229 : vector<16xf32>
      %mul3A_231 = arith.mulf %mul3A_230, %mul3A_229 : vector<16xf32>
      %sub3A_232 = arith.constant 1.500000e+00 : f32
      %sub3A_233 = vector.broadcast %sub3A_232 : f32 to vector<16xf32>
      %sub3A_234 = arith.subf %sub3A_233, %mul3A_231 : vector<16xf32>
      %mul3A_235 = arith.mulf %mul3A_229, %sub3A_234 : vector<16xf32>
      %mul3A_236 = arith.mulf %get3A_186, %mul3A_235 : vector<16xf32>
      %gt3A_237 = arith.constant -9.990000e-01 : f32
      %gt3A_238 = vector.broadcast %gt3A_237 : f32 to vector<16xf32>
      %gt3A_239 = arith.cmpf ogt, %mul3A_236, %gt3A_238 : vector<16xf32>
      %and3A_240 = arith.andi %eq3A_174, %gt3A_239 : vector<16xi1>
      %lt3A_241 = arith.constant 9.990000e-01 : f32
      %lt3A_242 = vector.broadcast %lt3A_241 : f32 to vector<16xf32>
      %lt3A_243 = arith.cmpf olt, %mul3A_236, %lt3A_242 : vector<16xf32>
      %and3A_244 = arith.andi %and3A_240, %lt3A_243 : vector<16xi1>
      %add3A_245 = arith.constant 1.000000e+00 : f32
      %add3A_246 = vector.broadcast %add3A_245 : f32 to vector<16xf32>
      %add3A_247 = arith.addf %add3A_246, %mul3A_236 : vector<16xf32>
      %jit3A_248 = arith.constant 0.000000e+00 : f32
      %broadcast_in_dim3A_249 = vector.broadcast %jit3A_248 : f32 to vector<16xf32>
      %select_n3A_250 = arith.select %and3A_244, %add3A_247, %broadcast_in_dim3A_249 : vector<16xi1>, vector<16xf32>
      %add3A_251 = arith.addf %scan3A_83, %select_n3A_250 : vector<16xf32>
      scf.yield %add3A_116, %add3A_122, %add3A_165, %add3A_196, %add3A_204, %add3A_251 : vector<16xf32>, vector<16xf32>, vector<16xf32>, vector<16xf32>, vector<16xf32>, vector<16xf32>
    }
    %scan3A_62 = arith.constant 128 : i32
    %add3A_63 = arith.addf %scan3A_61#0, %scan3A_61#3 : vector<16xf32>
    %swap3A = arith.constant 0 : index
    %swap3A_64 = tpu.vector_load %arg11[%swap3A] {strides = array<i32>} : memref<48xf32, #tpu.memory_space<vmem>>, vector<16xf32>,
    %swap3A_65 = vector.shape_cast %swap3A_64 : vector<16xf32> to vector<16xf32>
    %swap3A_66 = vector.shape_cast %add3A_63 : vector<16xf32> to vector<16xf32>
    tpu.vector_store %arg11[%swap3A], %swap3A_66 {strides = array<i32>} : memref<48xf32, #tpu.memory_space<vmem>>, vector<16xf32>,
    %add3A_67 = arith.addf %scan3A_61#1, %scan3A_61#4 : vector<16xf32>
    %swap3A_68 = arith.constant 16 : index
    %swap3A_69 = tpu.vector_load %arg11[%swap3A_68] {strides = array<i32>} : memref<48xf32, #tpu.memory_space<vmem>>, vector<16xf32>,
    %swap3A_70 = vector.shape_cast %swap3A_69 : vector<16xf32> to vector<16xf32>
    %swap3A_71 = vector.shape_cast %add3A_67 : vector<16xf32> to vector<16xf32>
    tpu.vector_store %arg11[%swap3A_68], %swap3A_71 {strides = array<i32>} : memref<48xf32, #tpu.memory_space<vmem>>, vector<16xf32>,
    %add3A_72 = arith.addf %scan3A_61#2, %scan3A_61#5 : vector<16xf32>
    %swap3A_73 = arith.constant 32 : index
    %swap3A_74 = tpu.vector_load %arg11[%swap3A_73] {strides = array<i32>} : memref<48xf32, #tpu.memory_space<vmem>>, vector<16xf32>,
    %swap3A_75 = vector.shape_cast %swap3A_74 : vector<16xf32> to vector<16xf32>
    %swap3A_76 = vector.shape_cast %add3A_72 : vector<16xf32> to vector<16xf32>
    tpu.vector_store %arg11[%swap3A_73], %swap3A_76 {strides = array<i32>} : memref<48xf32, #tpu.memory_space<vmem>>, vector<16xf32>,
    "tpu.region"() ({
      %run_scoped3A = tpu.sem_alloc : memref<!tpu.dma_semaphore, #tpu.memory_space<semaphore_mem>>
      %dma_start3A_77 = arith.constant 0 : i32
      %dma_start3A_78 = tpu.memref_slice %arg5[%add3A, %dma_start3A_77] : memref<32x48xf32, #tpu.memory_space<hbm>> -> memref<1x48xf32, #tpu.memory_space<hbm>>
      %dma_start3A_79 = tpu.memref_squeeze %dma_start3A_78 : memref<1x48xf32, #tpu.memory_space<hbm>> -> memref<48xf32, #tpu.memory_space<hbm>>
      %dma_start3A_80 = arith.constant 0 : i32
      %dma_start3A_81 = tpu.memref_slice %arg5[%add3A, %dma_start3A_80] : memref<32x48xf32, #tpu.memory_space<hbm>> -> memref<1x48xf32, #tpu.memory_space<hbm>>
      %dma_start3A_82 = tpu.memref_squeeze %dma_start3A_81 : memref<1x48xf32, #tpu.memory_space<hbm>> -> memref<48xf32, #tpu.memory_space<hbm>>
      tpu.enqueue_dma source(%arg11 : memref<48xf32, #tpu.memory_space<vmem>>) target(%dma_start3A_82 : memref<48xf32, #tpu.memory_space<hbm>>) target_semaphore(%run_scoped3A : memref<!tpu.dma_semaphore, #tpu.memory_space<semaphore_mem>>)
      %dma_wait3A_83 = arith.constant 0 : i32
      %dma_wait3A_84 = tpu.memref_slice %arg5[%add3A, %dma_wait3A_83] : memref<32x48xf32, #tpu.memory_space<hbm>> -> memref<1x48xf32, #tpu.memory_space<hbm>>
      %dma_wait3A_85 = tpu.memref_squeeze %dma_wait3A_84 : memref<1x48xf32, #tpu.memory_space<hbm>> -> memref<48xf32, #tpu.memory_space<hbm>>
      %dma_wait3A_86 = arith.constant 0 : i32
      %dma_wait3A_87 = tpu.memref_slice %arg5[%add3A, %dma_wait3A_86] : memref<32x48xf32, #tpu.memory_space<hbm>> -> memref<1x48xf32, #tpu.memory_space<hbm>>
      %dma_wait3A_88 = tpu.memref_squeeze %dma_wait3A_87 : memref<1x48xf32, #tpu.memory_space<hbm>> -> memref<48xf32, #tpu.memory_space<hbm>>
      tpu.wait_dma2 semaphore(%run_scoped3A : memref<!tpu.dma_semaphore, #tpu.memory_space<semaphore_mem>>) src(%arg11 : memref<48xf32, #tpu.memory_space<vmem>>) dst(%dma_wait3A_88 : memref<48xf32, #tpu.memory_space<hbm>>)
      tpu.yield
    }) : () -> ()
    return
  }
}

module attributes {stable_mosaic.version = 14 : i64} {
  func.func @_sky_tc_body(%arg0: i32, %arg1: i32, %arg2: memref<1x224x512xf32, #tpu.memory_space<vmem>>, %arg3: memref<1x224x512xi32, #tpu.memory_space<vmem>>, %arg4: memref<1x3x224x512xf32, #tpu.memory_space<vmem>>, %arg5: memref<3xf32, #tpu.memory_space<smem>>) attributes {dimension_semantics = [#tpu.dimension_semantics<arbitrary>, #tpu.dimension_semantics<arbitrary>], iteration_bounds = array<i64: 4, 2>, scalar_prefetch = 0 : i64, scratch_operands = 0 : i64, tpu.core_type = #tpu.core_type<tc>, window_params = [{transform_indices = @transform_0, window_bounds = array<i64: 1, 224, 512>}, {transform_indices = @transform_1, window_bounds = array<i64: 1, 224, 512>}, {transform_indices = @transform_2, window_bounds = array<i64: 1, 3, 224, 512>}, {transform_indices = @transform_3, window_bounds = array<i64: 3>}]} {
    %eq3A = arith.constant 0 : i32
    %eq3A_0 = arith.cmpi eq, %arg0, %eq3A : i32
    %eq3A_1 = arith.constant 0 : i32
    %eq3A_2 = arith.cmpi eq, %arg1, %eq3A_1 : i32
    %and3A = arith.andi %eq3A_0, %eq3A_2 : i1
    %convert_element_type3A = arith.extui %and3A : i1 to i32
    %cond3A = arith.constant 0 : i32
    %cond3A_3 = arith.cmpi ne, %convert_element_type3A, %cond3A : i32
    scf.if %cond3A_3 {
      %swap3A_83 = arith.constant 0.000000e+00 : f32
      %swap3A_84 = arith.constant 0 : index
      %swap3A_85 = memref.load %arg5[%swap3A_84] : memref<3xf32, #tpu.memory_space<smem>>
      memref.store %swap3A_83, %arg5[%swap3A_84] : memref<3xf32, #tpu.memory_space<smem>>
      %swap3A_86 = arith.constant 0.000000e+00 : f32
      %swap3A_87 = arith.constant 1 : index
      %swap3A_88 = memref.load %arg5[%swap3A_87] : memref<3xf32, #tpu.memory_space<smem>>
      memref.store %swap3A_86, %arg5[%swap3A_87] : memref<3xf32, #tpu.memory_space<smem>>
      %swap3A_89 = arith.constant 0.000000e+00 : f32
      %swap3A_90 = arith.constant 2 : index
      %swap3A_91 = memref.load %arg5[%swap3A_90] : memref<3xf32, #tpu.memory_space<smem>>
      memref.store %swap3A_89, %arg5[%swap3A_90] : memref<3xf32, #tpu.memory_space<smem>>
    } else {
    }
    %get3A = arith.constant 0 : index
    %get3A_4 = arith.constant 0 : index
    %get3A_5 = arith.constant 0 : index
    %get3A_6 = vector.load %arg3[%get3A, %get3A_4, %get3A_5] : memref<1x224x512xi32, #tpu.memory_space<vmem>>, vector<1x224x512xi32>
    %eq3A_7 = arith.constant 142 : i32
    %eq3A_8 = vector.broadcast %eq3A_7 : i32 to vector<1x224x512xi32>
    %eq3A_9 = arith.cmpi eq, %get3A_6, %eq3A_8 : vector<1x224x512xi32>
    %convert_element_type3A_10 = arith.extui %eq3A_9 : vector<1x224x512xi1> to vector<1x224x512xi32>
    %convert_element_type3A_11 = arith.sitofp %convert_element_type3A_10 : vector<1x224x512xi32> to vector<1x224x512xf32>
    %get3A_12 = arith.constant 0 : index
    %get3A_13 = arith.constant 0 : index
    %get3A_14 = arith.constant 0 : index
    %get3A_15 = vector.load %arg2[%get3A_12, %get3A_13, %get3A_14] : memref<1x224x512xf32, #tpu.memory_space<vmem>>, vector<1x224x512xf32>
    %get3A_16 = arith.constant 0 : index
    %get3A_17 = arith.constant 0 : index
    %get3A_18 = arith.constant 0 : index
    %get3A_19 = arith.constant 0 : index
    %get3A_20 = vector.load %arg4[%get3A_16, %get3A_17, %get3A_18, %get3A_19] : memref<1x3x224x512xf32, #tpu.memory_space<vmem>>, vector<1x1x224x512xf32>
    %get3A_21 = vector.shape_cast %get3A_20 : vector<1x1x224x512xf32> to vector<224x512xf32>
    %get3A_22 = arith.constant 0 : index
    %get3A_23 = arith.constant 1 : index
    %get3A_24 = arith.constant 0 : index
    %get3A_25 = arith.constant 0 : index
    %get3A_26 = vector.load %arg4[%get3A_22, %get3A_23, %get3A_24, %get3A_25] : memref<1x3x224x512xf32, #tpu.memory_space<vmem>>, vector<1x1x224x512xf32>
    %get3A_27 = vector.shape_cast %get3A_26 : vector<1x1x224x512xf32> to vector<224x512xf32>
    %get3A_28 = arith.constant 0 : index
    %get3A_29 = arith.constant 2 : index
    %get3A_30 = arith.constant 0 : index
    %get3A_31 = arith.constant 0 : index
    %get3A_32 = vector.load %arg4[%get3A_28, %get3A_29, %get3A_30, %get3A_31] : memref<1x3x224x512xf32, #tpu.memory_space<vmem>>, vector<1x1x224x512xf32>
    %get3A_33 = vector.shape_cast %get3A_32 : vector<1x1x224x512xf32> to vector<224x512xf32>
    %mul3A = arith.mulf %get3A_21, %get3A_21 : vector<224x512xf32>
    %mul3A_34 = arith.mulf %get3A_27, %get3A_27 : vector<224x512xf32>
    %add3A = arith.addf %mul3A, %mul3A_34 : vector<224x512xf32>
    %mul3A_35 = arith.mulf %get3A_33, %get3A_33 : vector<224x512xf32>
    %add3A_36 = arith.addf %add3A, %mul3A_35 : vector<224x512xf32>
    %max3A = arith.constant 1.000000e-16 : f32
    %max3A_37 = vector.broadcast %max3A : f32 to vector<224x512xf32>
    %max3A_38 = arith.maximumf %add3A_36, %max3A_37 : vector<224x512xf32>
    %rsqrt3A = math.rsqrt %max3A_38 : vector<224x512xf32>
    %mul3A_39 = arith.mulf %get3A_27, %rsqrt3A : vector<224x512xf32>
    %squeeze3A = vector.shape_cast %convert_element_type3A_11 : vector<1x224x512xf32> to vector<224x512xf32>
    %gt3A = arith.constant -9.990000e-01 : f32
    %gt3A_40 = vector.broadcast %gt3A : f32 to vector<224x512xf32>
    %gt3A_41 = arith.cmpf ogt, %mul3A_39, %gt3A_40 : vector<224x512xf32>
    %lt3A = arith.constant 9.990000e-01 : f32
    %lt3A_42 = vector.broadcast %lt3A : f32 to vector<224x512xf32>
    %lt3A_43 = arith.cmpf olt, %mul3A_39, %lt3A_42 : vector<224x512xf32>
    %and3A_44 = arith.andi %gt3A_41, %lt3A_43 : vector<224x512xi1>
    %convert_element_type3A_45 = arith.extui %and3A_44 : vector<224x512xi1> to vector<224x512xi32>
    %convert_element_type3A_46 = arith.sitofp %convert_element_type3A_45 : vector<224x512xi32> to vector<224x512xf32>
    %mul3A_47 = arith.mulf %squeeze3A, %convert_element_type3A_46 : vector<224x512xf32>
    %get3A_48 = arith.constant 0 : index
    %get3A_49 = memref.load %arg5[%get3A_48] : memref<3xf32, #tpu.memory_space<smem>>
    %reduce_sum3A = vector.shape_cast %convert_element_type3A_11 : vector<1x224x512xf32> to vector<1x1x224x512xf32>
    %reduce_sum3A_50 = arith.constant dense<0.000000e+00> : vector<1xf32>
    %reduce_sum3A_51 = vector.multi_reduction <add>, %reduce_sum3A, %reduce_sum3A_50 [1, 2, 3] : vector<1x1x224x512xf32> to vector<1xf32>
    %reduce_sum3A_52 = vector.shape_cast %reduce_sum3A_51 : vector<1xf32> to vector<1x1x1x1xf32>
    %reduce_sum3A_53 = vector.extract %reduce_sum3A_52[0, 0, 0, 0] : f32 from vector<1x1x1x1xf32>
    %add3A_54 = arith.addf %get3A_49, %reduce_sum3A_53 : f32
    %swap3A = arith.constant 0 : index
    %swap3A_55 = memref.load %arg5[%swap3A] : memref<3xf32, #tpu.memory_space<smem>>
    memref.store %add3A_54, %arg5[%swap3A] : memref<3xf32, #tpu.memory_space<smem>>
    %get3A_56 = arith.constant 1 : index
    %get3A_57 = memref.load %arg5[%get3A_56] : memref<3xf32, #tpu.memory_space<smem>>
    %sub3A = arith.constant 1.800000e+00 : f32
    %sub3A_58 = vector.broadcast %sub3A : f32 to vector<1x224x512xf32>
    %sub3A_59 = arith.subf %get3A_15, %sub3A_58 : vector<1x224x512xf32>
    %abs3A = math.absf %sub3A_59 : vector<1x224x512xf32>
    %mul3A_60 = arith.mulf %abs3A, %convert_element_type3A_11 : vector<1x224x512xf32>
    %reduce_sum3A_61 = vector.shape_cast %mul3A_60 : vector<1x224x512xf32> to vector<1x1x224x512xf32>
    %reduce_sum3A_62 = arith.constant dense<0.000000e+00> : vector<1xf32>
    %reduce_sum3A_63 = vector.multi_reduction <add>, %reduce_sum3A_61, %reduce_sum3A_62 [1, 2, 3] : vector<1x1x224x512xf32> to vector<1xf32>
    %reduce_sum3A_64 = vector.shape_cast %reduce_sum3A_63 : vector<1xf32> to vector<1x1x1x1xf32>
    %reduce_sum3A_65 = vector.extract %reduce_sum3A_64[0, 0, 0, 0] : f32 from vector<1x1x1x1xf32>
    %add3A_66 = arith.addf %get3A_57, %reduce_sum3A_65 : f32
    %swap3A_67 = arith.constant 1 : index
    %swap3A_68 = memref.load %arg5[%swap3A_67] : memref<3xf32, #tpu.memory_space<smem>>
    memref.store %add3A_66, %arg5[%swap3A_67] : memref<3xf32, #tpu.memory_space<smem>>
    %get3A_69 = arith.constant 2 : index
    %get3A_70 = memref.load %arg5[%get3A_69] : memref<3xf32, #tpu.memory_space<smem>>
    %add3A_71 = arith.constant 1.000000e+00 : f32
    %add3A_72 = vector.broadcast %add3A_71 : f32 to vector<224x512xf32>
    %add3A_73 = arith.addf %add3A_72, %mul3A_39 : vector<224x512xf32>
    %mul3A_74 = arith.mulf %add3A_73, %mul3A_47 : vector<224x512xf32>
    %reduce_sum3A_75 = vector.shape_cast %mul3A_74 : vector<224x512xf32> to vector<1x224x512xf32>
    %reduce_sum3A_76 = arith.constant dense<0.000000e+00> : vector<1xf32>
    %reduce_sum3A_77 = vector.multi_reduction <add>, %reduce_sum3A_75, %reduce_sum3A_76 [1, 2] : vector<1x224x512xf32> to vector<1xf32>
    %reduce_sum3A_78 = vector.shape_cast %reduce_sum3A_77 : vector<1xf32> to vector<1x1x1xf32>
    %reduce_sum3A_79 = vector.extract %reduce_sum3A_78[0, 0, 0] : f32 from vector<1x1x1xf32>
    %add3A_80 = arith.addf %get3A_70, %reduce_sum3A_79 : f32
    %swap3A_81 = arith.constant 2 : index
    %swap3A_82 = memref.load %arg5[%swap3A_81] : memref<3xf32, #tpu.memory_space<smem>>
    memref.store %add3A_80, %arg5[%swap3A_81] : memref<3xf32, #tpu.memory_space<smem>>
    return
  }
  func.func @transform_0(%arg0: i32, %arg1: i32) -> (i32, i32, i32) {
    %c0_i32 = arith.constant 0 : i32
    %c0_i32_0 = arith.constant 0 : i32
    return %arg0, %arg1, %c0_i32 : i32, i32, i32
  }
  func.func @transform_1(%arg0: i32, %arg1: i32) -> (i32, i32, i32) {
    %c0_i32 = arith.constant 0 : i32
    %c0_i32_0 = arith.constant 0 : i32
    return %arg0, %arg1, %c0_i32 : i32, i32, i32
  }
  func.func @transform_2(%arg0: i32, %arg1: i32) -> (i32, i32, i32, i32) {
    %c0_i32 = arith.constant 0 : i32
    %c0_i32_0 = arith.constant 0 : i32
    %c0_i32_1 = arith.constant 0 : i32
    return %arg0, %c0_i32, %arg1, %c0_i32_0 : i32, i32, i32, i32
  }
  func.func @transform_3(%arg0: i32, %arg1: i32) -> i32 {
    %c0_i32 = arith.constant 0 : i32
    %c0_i32_0 = arith.constant 0 : i32
    return %c0_i32 : i32
  }
}

</mosaic_0001>

<sc_bundles>
// kernel: kernel.4.cloned.1.call-start
scs
__scs_entry_jumppad:
0x0: {  	(pc) =	sbr.rel $0x88, $3  }
0x1: {  	(tag) =	ssettag $0x0;
	lr =	simm.s32 $0x1  }
0x2: {  	[smem:$0x3F9E] =	sst lr;
	_ =	strace $0xD0000000  }
0x3: {  	_ = 	snop  }
0x4: {  	_ = 	snop  }
0x5: {  	_ = 	snop  }
0x6: {  	_ = 	snop  }
0x7: {  	_ = 	snop  }
__scs_overlays_trampoline_lowered:
0x8: {  	[smem:$0x3FAD] =	sst s0  }
0x9: {  	[smem:$0x3FAE] =	sst s1  }
0xa: {  	[smem:$0x3FAF] =	sst s2  }
0xb: {  	[smem:$0x3FB0] =	sst s3  }
0xc: {  	[smem:$0x3FB1] =	sst s4  }
0xd: {  	[smem:$0x3FB2] =	sst s5  }
0xe: {  	[smem:$0x3FB3] =	sst s6  }
0xf: {  	[smem:$0x3FB4] =	sst s7  }
0x10: {  	[smem:$0x3FB5] =	sst s8  }
0x11: {  	[smem:$0x3FB6] =	sst s9;
	s0 =	simm.s32 @!p0 $0x0  }
0x12: {  	s1 =	sld [smem:$0x3F9C];
	s0 =	simm.s32 @p0 $0x1  }
0x13: {  	[smem:$0x3FB7] =	sst s0;
	s0 =	simm.s32 @!p1 $0x0  }
0x14: {  	s2 =	sld [smem:$0x3F9B];
	s0 =	simm.s32 @p1 $0x1  }
0x15: {  	[smem:$0x3FB8] =	sst s0;
	s0 =	simm.s32 @!p2 $0x0  }
0x16: {  	s3 =	sld [smem:$0x3FDB];
	s0 =	simm.s32 @p2 $0x1  }
0x17: {  	s4 =	simm.s32 $0x1BF5;
	[smem:$0x3FBA] =	sst s0  }
0x18: {  	s0 =	sld [smem:$0x3F9D];
	_ =	swait.ge [sflag:s4], $0x0  }
0x19: {  	s7 =	sld [smem:$0x3F9E]  }
0x1a: {  	s8 =	sadd.s32 $0xFFFFE003, lr  }
0x1b: {  	s9 =	sadd.s32 $0xFFFFFEF7, lr;
	s5 =	simm.s32 $0xFFFFFFFF;
	p2 =	slt.u32 s8, $0xFFFFF086  }
0x1c: {  	p1 =	slt.u32 s9, $0xF7A;
	s5 =	simm.s32 @!p2 $0x0  }
0x1d: {  	s5 =	simm.s32 @p1 $0x1;
	p0 =	seq.s32 s7, s2  }
0x1e: {  	s7 =	smul.u32 @!p0 $0xF7A, s2;
	p2 =	seq.s32 @!p0 s5, $0x0  }
0x1f: {  	s9 =	smul.u32 $0xF7A, s1;
	s8 =	simm.s32 @!p0 $0x1BF5;
	p2 =	por !p2, p0  }
0x20: {  	[sflag:s8] =	ssyncset.s32 @!p0 $0xFFFFF086;
	s6 =	sadd.s32 @!p0 s3, s7;
	s7 =	simm.s32 @!p0 $0x108  }
0x21: {  	s3 =	sadd.s32 s3, s9;
	s6 =	sadd.s32 @!p0 $0x88, s6;
	s7 =	simm.s32 @p2 $0x1082  }
0x22: {  	[simem:s7], [sflag:s8] =	dma.local @!p0 [hbm:s6], $0xF7A  }
0x23: {  	s9 =	sor.u32 $0xD0000000, s2;
	s6 =	simm.s32 $0x108;
	_ =	swait.ge @!p0 [sflag:s8], $0x0  }
0x24: {  	s3 =	sadd.s32 $0x88, s3;
	s6 =	simm.s32 @!p1 $0x1082;
	[sflag:s4] =	ssyncset.s32 $0xFFFFF086  }
0x25: {  	[simem:s6], [sflag:s4] =	dma.local [hbm:s3], $0xF7A  }
0x26: {  	[smem:$0x3F9E] =	sst s1;
	(tag) =	ssettag s2;
	_ =	strace s9  }
0x27: {  	s1 =	sld [smem:$0x3FAE]  }
0x28: {  	s2 =	sld [smem:$0x3FAF]  }
0x29: {  	s4 =	sld [smem:$0x3FB1]  }
0x2a: {  	p0 =	seq.s32 s5, $0x0;
	s5 =	sld [smem:$0x3FB2]  }
0x2b: {  	s6 =	sld [smem:$0x3FB3]  }
0x2c: {  	s7 =	sld [smem:$0x3FB4]  }
0x2d: {  	s3 =	simm.s32 $0x108;
	s8 =	sld [smem:$0x3FB5]  }
0x2e: {  	s3 =	simm.s32 @!p0 $0x1082;
	s9 =	sld [smem:$0x3FB6]  }
0x2f: {  	lr =	sadd.s32 s0, s3;
	s0 =	sld [smem:$0x3FAD]  }
0x30: {  	s3 =	sld [smem:$0x3FB0]  }
0x31: {  	[smem:$0x3FB9] =	sst s10  }
0x32: {  	s10 =	sld [smem:$0x3FB7];
	_ =	sdelay $0x3  }
0x33: {  	p0 =	seq.s32 s10, $0x1;
	s10 =	sld [smem:$0x3FB9];
	_ =	sdelay $0x3  }
0x34: {  	[smem:$0x3FB9] =	sst s10  }
0x35: {  	s10 =	sld [smem:$0x3FB8];
	_ =	sdelay $0x3  }
0x36: {  	p1 =	seq.s32 s10, $0x1;
	s10 =	sld [smem:$0x3FB9];
	_ =	sdelay $0x3  }
0x37: {  	[smem:$0x3FB9] =	sst s10  }
0x38: {  	s10 =	sld [smem:$0x3FBA]  }
0x39: {  	_ = 	snop;
	(pc) =	sbr.ind lr, $3  }
0x3a: {  	_ = 	snop  }
0x3b: {  	_ = 	snop  }
0x3c: {  	p2 =	seq.s32 s10, $0x1;
	s10 =	sld [smem:$0x3FB9]  }
0x3d: {  	_ =	shalt  }
0x3e: {  	_ =	shalt  }
0x3f: {  	_ =	shalt  }
0x40: {  	_ =	shalt  }
0x41: {  	_ =	shalt  }
0x42: {  	_ =	shalt  }
0x43: {  	_ =	shalt  }
0x44: {  	_ =	shalt  }
0x45: {  	_ =	shalt  }
0x46: {  	_ =	shalt  }
0x47: {  	_ =	shalt  }
0x48: {  	_ =	shalt  }
0x49: {  	_ =	shalt  }
0x4a: {  	_ =	shalt  }
0x4b: {  	_ =	shalt  }
0x4c: {  	_ =	shalt  }
0x4d: {  	_ =	shalt  }
0x4e: {  	_ =	shalt  }
0x4f: {  	_ =	shalt  }
0x50: {  	_ =	shalt  }
0x51: {  	_ =	shalt  }
0x52: {  	_ =	shalt  }
0x53: {  	_ =	shalt  }
0x54: {  	_ =	shalt  }
0x55: {  	_ =	shalt  }
0x56: {  	_ =	shalt  }
0x57: {  	_ =	shalt  }
0x58: {  	_ =	shalt  }
0x59: {  	_ =	shalt  }
0x5a: {  	_ =	shalt  }
0x5b: {  	_ =	shalt  }
0x5c: {  	_ =	shalt  }
0x5d: {  	_ =	shalt  }
0x5e: {  	_ =	shalt  }
0x5f: {  	_ =	shalt  }
0x60: {  	_ =	shalt  }
0x61: {  	_ =	shalt  }
0x62: {  	_ =	shalt  }
0x63: {  	_ =	shalt  }
0x64: {  	_ =	shalt  }
0x65: {  	_ =	shalt  }
0x66: {  	_ =	shalt  }
0x67: {  	_ =	shalt  }
0x68: {  	_ =	shalt  }
0x69: {  	_ =	shalt  }
0x6a: {  	_ =	shalt  }
0x6b: {  	_ =	shalt  }
0x6c: {  	_ =	shalt  }
0x6d: {  	_ =	shalt  }
0x6e: {  	_ =	shalt  }
0x6f: {  	_ =	shalt  }
0x70: {  	_ =	shalt  }
0x71: {  	_ =	shalt  }
0x72: {  	_ =	shalt  }
0x73: {  	_ =	shalt  }
0x74: {  	_ =	shalt  }
0x75: {  	_ =	shalt  }
0x76: {  	_ =	shalt  }
0x77: {  	_ =	shalt  }
0x78: {  	_ =	shalt  }
0x79: {  	_ =	shalt  }
0x7a: {  	_ =	shalt  }
0x7b: {  	_ =	shalt  }
0x7c: {  	_ =	shalt  }
0x7d: {  	_ =	shalt  }
0x7e: {  	_ =	shalt  }
0x7f: {  	_ =	shalt  }
0x80: {  	_ =	shalt  }
0x81: {  	_ =	shalt  }
0x82: {  	_ =	shalt  }
0x83: {  	_ =	shalt  }
0x84: {  	_ =	shalt  }
0x85: {  	_ =	shalt  }
0x86: {  	_ =	shalt  }
0x87: {  	_ =	shalt  }
.Lfunc_end0:
.L_simem_size_0:
called_computation_lowered:
.L_overlay_start_0:
0x88: {  	s2 =	sld [smem:$0x3FD9]  }
0x89: {  	s3 =	sld [smem:$0x3FFE];
	_ =	sdelay $0x1  }
0x8a: {  	s1 =	srdreg.scid  }
0x8b: {  	s0 =	sand.u32 $0x1, s1  }
0x8c: {  	s17 =	sshll.u32 s0, $0xA;
	s2 =	sadd.s32 s3, s2  }
0x8d: {  	s2 =	sadd.s32 s2, s17  }
0x8e: {  	[smem:$0x3FC5] =	sst s2  }
0x8f: {  	_ = 	snop  }
0x90: {  	s2 =	sld [smem:$0x3FC9]  }
0x91: {  	s18 =	sld [smem:$0x3FC8]  }
0x92: {  	s4 =	sld [smem:$0x3FC7];
	(tm) =	ssettm $0x1  }
0x93: {  	s5 =	sld [smem:$0x3FFB];
	_ =	sdelay $0x3  }
0x94: {  	_ =	strace s5  }
0x95: {  	s5 =	sld [smem:$0x3FFC];
	_ =	sdelay $0x3  }
0x96: {  	_ =	strace s5  }
0x97: {  	s5 =	sld [smem:$0x3FFD];
	_ =	sdelay $0x3  }
0x98: {  	_ =	strace s5  }
0x99: {  	_ =	strace $0x8FFFFFFF  }
0x9a: {  	s19 =	sld [smem:$0x3FDB];
	_ =	sdelay $0x1  }
0x9b: {  	s6 =	simm.s32 $_scs_section_size  }
0x9c: {  	s7 =	simm.s32 $_size__tile_overlayer_lowered;
	s8 =	simm.s32 $_tile_overlayer_lowered  }
0x9d: {  	s22 =	simm.s32 $0x1BFF;
	s21 =	sshll.u32 s8, $0x1;
	s5 =	sadd.s32 s6, s19  }
0x9e: {  	s9 =	simm.s32 $0x0;
	s20 =	sshll.u32 s7, $0x1;
	s7 =	sadd.s32 s21, s5  }
0x9f: {  	[timem:s9], [sflag:s22] =	dma.local [hbm:s7], s20  }
0xa0: {  	_ =	swait.ge [sflag:s22], s20  }
0xa1: {  	s6 =	ssub.s32 $0x0, s20;
	[sflag:s22] =	ssyncset.done $0x0  }
0xa2: {  	[sflag:s22] =	ssyncadd.s32 s6;
	_ =	sdelay $0x1  }
0xa3: {  	s23 =	simm.s32 $0x1B8B  }
0xa4: {  	_ =	swait.ge [sflag:s23], $0x1  }
0xa5: {  	[sflag:s23] =	ssyncset.done $0x0  }
0xa6: {  	s25 =	simm.s32 $0x1B8E;
	s24 =	sld [smem:$0x3FFE];
	[sflag:s23] =	ssyncadd.s32 $0xFFFFFFFF  }
0xa7: {  	s26 =	simm.s32 $execute0_lowered;
	[smem:$0x3FD2] =	sst s25  }
0xa8: {  	s7 =	sshll.u32 s26, $0x1;
	_ =	strace $0x80000046;
	[dreg:$0x1] =	wrdreg $0xFFFFFFFF  }
0xa9: {  	s28 =	simm.s32 $_size_execute0_lowered;
	s5 =	sadd.s32 s5, s7;
	[dreg:$0x0] =	wrdreg $0x0  }
0xaa: {  	s7 =	sshll.u32 s28, $0x1;
	[dreg:$0x2] =	wrdreg s5  }
0xab: {  	[dreg:$0x3] =	wrdreg s7  }
0xac: {  	[dreg:$0x4] =	wrdreg $0xC0  }
0xad: {  	_ =	task [dreg:s9], $0x5FFFF  }
0xae: {  	[dreg:$0x1] =	wrdreg $0xFFFFFFFF  }
0xaf: {  	[dreg:$0x0] =	wrdreg $0x60  }
0xb0: {  	[dreg:$0x2] =	wrdreg s2  }
0xb1: {  	[dreg:$0x3] =	wrdreg s4  }
0xb2: {  	[dreg:$0x4] =	wrdreg s18  }
0xb3: {  	[dreg:$0x5] =	wrdreg s24  }
0xb4: {  	[dreg:$0x6] =	wrdreg $0x9  }
0xb5: {  	_ =	task.clear_ibuf [dreg:s9], $0x7FFFF;
	_ =	strace $0x90000046  }
0xb6: {  	s29 =	simm.s32 $0x9;
	_ =	strace $0x80000048  }
0xb7: {  	_ =	swait.ge [sflag:s29], $0x1  }
0xb8: {  	[sflag:s29] =	ssyncadd.s32 $0xFFFFFFFF  }
0xb9: {  	_ =	strace $0x90000048  }
0xba: {  	_ =	sfence  }
0xbb: {  	s30 =	sld [smem:$0x0];
	_ =	sdelay $0x2  }
0xbc: {  	s31 =	sshll.u32 s1, $0xD;
	s1 =	sshrl.u32 s1, $0x2  }
0xbd: {  	s3 =	sand.u32 $0x4000, s31;
	s1 =	sadd.s32 s1, s30  }
0xbe: {  	s0 =	sor.u32 s3, s0;
	s1 =	sshll.u32 s1, $0x11  }
0xbf: {  	s0 =	sor.u32 s1, s0  }
0xc0: {  	s0 =	sadd.s32 $0x8F2B, s0  }
0xc1: {  	[sflag:s0] =	ssyncadd.remote.s32 $0x1  }
0xc2: {  	_ =	sfence.sel $0xFFFF  }
0xc3: {  	[dreg:$0x0] =	wrdreg $0xFFFFFFFF;
	(pc) =	sbr.abs _section_cstart, $3  }
0xc4: {  	[dreg:$0x1] =	wrdreg $0xFFFFFFFF  }
0xc5: {  	_ =	task.clear_ibuf [dreg:s9], $0x2FFFF;
	_ =	strace $0x9FFFFFFF  }
0xc6: {  	(tm) =	ssettm $0x7FFFFFFF  }
0xc7: {  	_ =	shalt  }
tec
execute0_lowered:
.L_overlay_start_1:
0x0: {  	(tag) =	ssettag $0x1  }
0x1: {  	s3 =	rddreg [dreg:$0x0]  }
0x2: {  	s4 =	rddreg [dreg:$0x1]  }
0x3: {  	s6 =	rddreg [dreg:$0x2]  }
0x4: {  	s5 =	rddreg [dreg:$0x3]  }
0x5: {  	s0 =	rddreg [dreg:$0x4];
	s7 =	srdreg.scid  }
0x6: {  	s2 =	simm.s32 $0x0;
	s1 =	stileid.u32;
	s14 =	simm.s32 $0x1  }
0x7: {  	s15 =	simm.s32 $0x5000;
	s16 =	simm.s32 $0x2;
	s17 =	simm.s32 $0x0  }
0x8: {  	s7 =	sand.u32 $0x1, s7;
	[smem:$0x7FF] =	sst s2;
	s8 =	sshll.u32 s1, $0x4  }
0x9: {  	s10 =	sshll.u32 s1, $0x3;
	s9 =	sshll.u32 s7, $0x4;
	_ =	strace $0x80000047  }
0xa: {  	s8 =	sand.u32 $0x70, s8;
	s7 =	ssub.s32 $0x2, s7;
	s10 =	sor.u32 $0x1C0, s10  }
0xb: {  	s9 =	sor.u32 s1, s9;
	s8 =	sadd.s32 s8, s5;
	s12 =	sshrl.u32 s7, $0x1  }
0xc: {  	s13 =	sshll.u32 s10, $0x6;
	s28 =	sshrl.u32 s9, $0x3;
	s9 =	sshll.u32 s9, $0x4  }
0xd: {  	s11 =	smul.u32 $0x600, s28;
	s5 =	sshll.u32 s28, $0xF;
	s9 =	sand.u32 $0x180, s9  }
0xe: {  	s12 =	ssub.s32 s7, s12;
	s5 =	sor.u32 s13, s5;
	s8 =	sadd.s32 s9, s8  }
0xf: {  	s9 =	smax.u32 s12, $0x1;
	s12 =	simm.s32 $0x3000;
	s29 =	sor.u32 s10, s11  }
0x10: {  	s13 =	simm.s32 $0x4000;
	s3 =	sadd.s32 s3, s5;
	s7 =	sshll.u32 s29, $0x6  }
0x11: {  	s4 =	sadd.s32 s4, s5;
	s8 =	sadd.s32 $0x200, s8;
	s30 =	sand.u32 $0x1FFFFE00, s7  }
0x12: {  	s10 =	simm.s32 $0x1000;
	s11 =	simm.s32 $0x2000;
	s31 =	sadd.s32 s6, s30  }
0x13: {  	v0 =	vimm.f32 $0.0e+00;
	s5 =	sadd.s32 s6, s7;
	s6 =	sadd.s32 $0x8000, s31;
	s7 =	sadd.s32 $0x10000, s31  }
.LBB2_1:
0x14: {  	[tilespmem:s2], [sflag:$0x1] =	stream.linear.gather [hbm4b:s3+s2], $0x1000, $0x38;
	[tilespmem:$0x5080] =	vst v63  }
0x15: {  	_ = 	snop  }
0x16: {  	[tilespmem:s10], [sflag:$0x1] =	stream.linear.gather [hbm4b:s4+s2], $0x1000, $0x38;
	[tilespmem:$0x5080] =	vst v63  }
0x17: {  	_ = 	snop  }
0x18: {  	[tilespmem:s11], [sflag:$0x1] =	stream.linear.gather [hbm4b:s5+s2], $0x1000, $0x38;
	[tilespmem:$0x5080] =	vst v63  }
0x19: {  	_ = 	snop  }
0x1a: {  	[tilespmem:s12], [sflag:$0x1] =	stream.linear.gather [hbm4b:s6+s2], $0x1000, $0x38;
	[tilespmem:$0x5080] =	vst v63  }
0x1b: {  	_ = 	snop  }
0x1c: {  	[tilespmem:s13], [sflag:$0x1] =	stream.linear.gather [hbm4b:s7+s2], $0x1000, $0x38;
	[tilespmem:$0x5080] =	vst v63  }
0x1d: {  	_ =	swait.ge [sflag:s14], $0x1000  }
0x1e: {  	[sflag:s14] =	ssyncset.done $0x0  }
0x1f: {  	[sflag:s14] =	ssyncadd.s32 $0xFFFFF000  }
0x20: {  	_ =	swait.ge [sflag:s14], $0x1000  }
0x21: {  	[sflag:s14] =	ssyncset.done $0x0  }
0x22: {  	[sflag:s14] =	ssyncadd.s32 $0xFFFFF000  }
0x23: {  	_ =	swait.ge [sflag:s14], $0x1000  }
0x24: {  	[sflag:s14] =	ssyncset.done $0x0  }
0x25: {  	[sflag:s14] =	ssyncadd.s32 $0xFFFFF000  }
0x26: {  	_ =	swait.ge [sflag:s14], $0x1000  }
0x27: {  	[sflag:s14] =	ssyncset.done $0x0  }
0x28: {  	[sflag:s14] =	ssyncadd.s32 $0xFFFFF000  }
0x29: {  	s18 =	sand.u32 $0x60, s2;
	s19 =	sand.u32 $0xC00, s2;
	_ =	swait.ge [sflag:s14], $0x1000  }
0x2a: {  	s20 =	sand.u32 $0x380, s2;
	s18 =	sor.u32 s18, s19;
	[sflag:s14] =	ssyncset.done $0x0  }
0x2b: {  	s19 =	sor.u32 s20, s18;
	[sflag:s14] =	ssyncadd.s32 $0xFFFFF000  }
0x2c: {  	v1 =	vld [tilespmem:s19+$0x2010]  }
0x2d: {  	v3 =	vld [tilespmem:s19+$0x3010]  }
0x2e: {  	v2 =	vld [tilespmem:s19+$0x4010]  }
0x2f: {  	v4 =	vld [tilespmem:s19+$0x2000]  }
0x30: {  	v7 =	vld [tilespmem:s19+$0x3000];
	_ =	sdelay $0x1  }
0x31: {  	v6 =	vld [tilespmem:s19+$0x4000];
	v1 =	vmul.f32 v1, v1;
	v5 =	vmul.f32 v3, v3;
	_ =	sdelay $0x1  }
0x32: {  	v2 =	vmul.f32 v2, v2;
	v1 =	vadd.f32 v5, v1  }
0x33: {  	v4 =	vmul.f32 v4, v4;
	v5 =	vmul.f32 v7, v7  }
0x34: {  	v1 =	vadd.f32 v2, v1  }
0x35: {  	v2 =	vmul.f32 v6, v6;
	v4 =	vadd.f32 v5, v4  }
0x36: {  	v1 =	vmax.f32 v1, $1.000000020e-16  }
0x37: {  	s29 =	simm.s32 $0x20;
	s30 =	simm.s32 $0x100;
	v2 =	vadd.f32 v2, v4;
	v5 =	vshra.s32 v1, $0x1;
	v1 =	vmul.f32 $5.000000000e-01, v1  }
0x38: {  	s21 =	simm.s32 $0x8;
	s18 =	sand.u32 $0x60, s29;
	s20 =	sand.u32 $0xC00, s30;
	v8 =	vld [tilespmem:s19+$0x10];
	v4 =	vsub.s32 $0x5F3759DF, v5  }
0x39: {  	s21 =	sand.u32 $0x380, s21;
	s18 =	sor.u32 s18, s20;
	v5 =	vld [tilespmem:s19+$0x0];
	v2 =	vmax.f32 v2, $1.000000020e-16;
	v6 =	vmul.f32 v4, v1  }
0x3a: {  	s18 =	sor.u32 s21, s18;
	v9 =	vld [tilespmem:s19+$0x1000];
	v10 =	vshra.s32 v2, $0x1;
	v11 =	vmul.f32 $5.000000000e-01, v2  }
0x3b: {  	v13 =	vld [tilespmem:s18+$0x2010];
	v2 =	vmul.f32 v4, v6;
	v6 =	vsub.s32 $0x5F3759DF, v10  }
0x3c: {  	v10 =	vmul.f32 v6, v11  }
0x3d: {  	v12 =	vsub.f32 $1.500000000e+00, v2;
	v2 =	vld [tilespmem:s18+$0x3010]  }
0x3e: {  	v14 =	vld [tilespmem:s18+$0x4010];
	v5 =	vadd.f32 $-1.799999950e+00, v5;
	v10 =	vmul.f32 v6, v10  }
0x3f: {  	v16 =	vld [tilespmem:s18+$0x4000];
	vm0 =	veq.s32 v9, $0x8E;
	v12 =	vmul.f32 v4, v12;
	v4 =	vadd.f32 $-1.799999950e+00, v8  }
0x40: {  	v13 =	vmul.f32 v13, v13;
	v8 =	vld [tilespmem:s18+$0x2000];
	v9 =	vand.u32 $0x7FFFFFFF, v5;
	v10 =	vsub.f32 $1.500000000e+00, v10  }
0x41: {  	v15 =	vmul.f32 v12, v1;
	v5 =	vand.u32 $0x7FFFFFFF, v4;
	v4 =	vnsel vm0, $0x0, v9;
	v1 =	vld [tilespmem:s18+$0x3000]  }
0x42: {  	v17 =	vld [tilespmem:s18+$0x0];
	v9 =	vsel vm0, $0x3F800000, v0;
	v10 =	vmul.f32 v6, v10;
	v18 =	vmul.f32 v2, v2  }
0x43: {  	v6 =	vadd.f32 v4, v0;
	v4 =	vadd.f32 v9, v0;
	v9 =	vld [tilespmem:s18+$0x10];
	v15 =	vmul.f32 v15, v12  }
0x44: {  	v14 =	vmul.f32 v14, v14;
	v11 =	vmul.f32 v10, v11;
	v13 =	vadd.f32 v18, v13  }
0x45: {  	v8 =	vmul.f32 v8, v8;
	v18 =	vld [tilespmem:s19+$0x1010];
	v15 =	vsub.f32 $1.500000000e+00, v15  }
0x46: {  	v19 =	vmul.f32 v1, v1;
	v13 =	vadd.f32 v14, v13;
	v11 =	vmul.f32 v11, v10  }
0x47: {  	v12 =	vmul.f32 v15, v12;
	v15 =	vmul.f32 v16, v16;
	v16 =	vadd.f32 $-1.799999950e+00, v17  }
0x48: {  	vm2 =	vmmov vm0;
	v9 =	vadd.f32 $-1.799999950e+00, v9;
	v8 =	vadd.f32 v19, v8  }
0x49: {  	v11 =	vsub.f32 $1.500000000e+00, v11;
	v3 =	vmul.f32 v12, v3;
	v12 =	vmax.f32 v13, $1.000000020e-16  }
0x4a: {  	v17 =	vld [tilespmem:s18+$0x1000];
	vm1 =	veq.s32 v18, $0x8E;
	v13 =	vshra.s32 v12, $0x1;
	v12 =	vmul.f32 $5.000000000e-01, v12  }
0x4b: {  	v8 =	vadd.f32 v15, v8;
	v11 =	vmul.f32 v11, v10;
	v14 =	vand.u32 $0x7FFFFFFF, v3  }
0x4c: {  	v15 =	vand.u32 $0x7FFFFFFF, v16;
	v3 =	vadd.f32 $1.000000000e+00, v3;
	vm0 =	vlt.f32 v14, $9.990000120e-01  }
0x4d: {  	v14 =	vsub.s32 $0x5F3759DF, v13;
	v8 =	vmax.f32 v8, $1.000000020e-16;
	vm0 =	vmand vm1, vm0  }
0x4e: {  	v13 =	vmul.f32 v14, v12;
	v10 =	vmul.f32 $5.000000000e-01, v8;
	v3 =	vnsel vm0, $0x0, v3  }
0x4f: {  	s20 =	simm.s32 $0x40;
	s21 =	simm.s32 $0x200;
	vm0 =	veq.s32 v17, $0x8E;
	v17 =	vshra.s32 v8, $0x1;
	v3 =	vadd.f32 v3, v0  }
0x50: {  	s31 =	simm.s32 $0x10;
	s22 =	sand.u32 $0x60, s20;
	s23 =	sand.u32 $0xC00, s21;
	v8 =	vmul.f32 v14, v13;
	v13 =	vsub.s32 $0x5F3759DF, v17;
	v17 =	vmul.f32 v11, v7  }
0x51: {  	s22 =	sor.u32 s22, s23;
	s19 =	sand.u32 $0x380, s31;
	v11 =	vand.u32 $0x7FFFFFFF, v9;
	v9 =	vimm.f32 $0.0e+00;
	v7 =	vimm.f32 $0.0e+00  }
0x52: {  	s19 =	sor.u32 s19, s22;
	s22 =	simm.s32 $0x18;
	v16 =	vmul.f32 v13, v10;
	v18 =	vsub.f32 $1.500000000e+00, v8;
	v8 =	vimm.f32 $0.0e+00  }
.LBB2_2:
0x53: {  	p0 =	sne.s32 s22, $0x3F8;
	v19 =	vld [tilespmem:s19+$0x2010];
	v15 =	vnsel vm0, $0x0, v15;
	v20 =	vand.u32 $0x7FFFFFFF, v17;
	v17 =	vadd.f32 $1.000000000e+00, v17  }
0x54: {  	v21 =	vld [tilespmem:s19+$0x3010];
	v16 =	vmul.f32 v13, v16;
	v14 =	vmul.f32 v14, v18;
	vm3 =	vlt.f32 v20, $9.990000120e-01  }
0x55: {  	v22 =	vnsel vm1, $0x0, v5;
	v5 =	vmovc v11;
	v20 =	vsel vm0, $0x3F800000, v0;
	v18 =	vld [tilespmem:s19+$0x2000];
	vm2 =	vmand vm2, vm3  }
0x56: {  	v11 =	vld [tilespmem:s19+$0x4010];
	v16 =	vsub.f32 $1.500000000e+00, v16;
	v12 =	vmul.f32 v14, v12;
	v17 =	vnsel vm2, $0x0, v17  }
0x57: {  	v6 =	vadd.f32 v15, v6;
	v15 =	vsel vm1, $0x3F800000, v0;
	v23 =	vld [tilespmem:s19+$0x3000];
	v9 =	vadd.f32 v17, v9  }
0x58: {  	v8 =	vadd.f32 v22, v8;
	v17 =	vld [tilespmem:s19+$0x4000];
	v13 =	vmul.f32 v13, v16;
	v12 =	vmul.f32 v12, v14  }
0x59: {  	v4 =	vadd.f32 v20, v4;
	v19 =	vmul.f32 v19, v19;
	v16 =	vld [tilespmem:s19+$0x0];
	v22 =	vmul.f32 v21, v21  }
0x5a: {  	v18 =	vmul.f32 v18, v18;
	v20 =	vld [tilespmem:s19+$0x10];
	v10 =	vmul.f32 v13, v10;
	v12 =	vsub.f32 $1.500000000e+00, v12  }
0x5b: {  	v7 =	vadd.f32 v15, v7;
	v19 =	vadd.f32 v22, v19;
	v11 =	vmul.f32 v11, v11;
	v22 =	vld [tilespmem:s18+$0x1010];
	s18 =	smov.u32 s19  }
0x5c: {  	vm2 =	vmmov vm0;
	v15 =	vld [tilespmem:s18+$0x1000];
	v24 =	vmul.f32 v23, v23;
	v12 =	vmul.f32 v12, v14  }
0x5d: {  	v10 =	vmul.f32 v10, v13;
	v14 =	vmul.f32 v17, v17;
	v11 =	vadd.f32 v11, v19  }
0x5e: {  	v16 =	vadd.f32 $-1.799999950e+00, v16;
	v17 =	vadd.f32 v24, v18;
	v18 =	vmul.f32 v12, v2;
	v2 =	vmovc v21  }
0x5f: {  	v10 =	vsub.f32 $1.500000000e+00, v10;
	v19 =	vadd.f32 $-1.799999950e+00, v20;
	v11 =	vmax.f32 v11, $1.000000020e-16  }
0x60: {  	v20 =	vshra.s32 v11, $0x1;
	vm1 =	veq.s32 v22, $0x8E;
	v21 =	vand.u32 $0x7FFFFFFF, v18  }
0x61: {  	v12 =	vmul.f32 $5.000000000e-01, v11;
	v11 =	vadd.f32 $1.000000000e+00, v18;
	vm0 =	vlt.f32 v21, $9.990000120e-01  }
0x62: {  	v17 =	vadd.f32 v14, v17;
	v14 =	vsub.s32 $0x5F3759DF, v20;
	vm0 =	vmand vm1, vm0  }
.Ltmp0:
0x63: {  	v20 =	vmul.f32 v10, v13;
	v18 =	vmul.f32 v14, v12;
	v10 =	vnsel vm0, $0x0, v11;
	(pc) =	sbr.rel @p0 .LBB2_2-.Ltmp0, $4  }
0x64: {  	s20 =	sadd.s32 $0x20, s20;
	s21 =	sadd.s32 $0x100, s21;
	vm0 =	veq.s32 v15, $0x8E;
	v11 =	vmax.f32 v17, $1.000000020e-16;
	v3 =	vadd.f32 v10, v3  }
0x65: {  	s23 =	sand.u32 $0xC00, s21;
	s19 =	sand.u32 $0x60, s20;
	v13 =	vshra.s32 v11, $0x1;
	v10 =	vmul.f32 $5.000000000e-01, v11;
	v18 =	vmul.f32 v14, v18  }
0x66: {  	s24 =	sand.u32 $0x380, s22;
	s19 =	sor.u32 s19, s23;
	v15 =	vand.u32 $0x7FFFFFFF, v16;
	v17 =	vmul.f32 v20, v1;
	v1 =	vmovc v23;
	v13 =	vsub.s32 $0x5F3759DF, v13  }
0x67: {  	s22 =	sadd.s32 $0x8, s22;
	s19 =	sor.u32 s24, s19;
	v11 =	vand.u32 $0x7FFFFFFF, v19;
	v16 =	vmul.f32 v13, v10;
	v18 =	vsub.f32 $1.500000000e+00, v18  }
0x68: {  	v19 =	vld [tilespmem:s19+$0x2010]  }
0x69: {  	v20 =	vld [tilespmem:s19+$0x3010]  }
0x6a: {  	v21 =	vld [tilespmem:s19+$0x2000]  }
0x6b: {  	v22 =	vand.u32 $0x7FFFFFFF, v17;
	v62 =	vadd.f32 $1.000000000e+00, v17;
	v63 =	vld [tilespmem:s19+$0x3000];
	v15 =	vnsel vm0, $0x0, v15  }
0x6c: {  	v23 =	vld [tilespmem:s19+$0x4010];
	v30 =	vsel vm0, $0x3F800000, v0;
	v5 =	vnsel vm1, $0x0, v5;
	v33 =	vsel vm1, $0x3F800000, v0  }
0x6d: {  	v27 =	vld [tilespmem:s19+$0x4000];
	vm8 =	vmmov vm0;
	vm3 =	vlt.f32 v22, $9.990000120e-01;
	v14 =	vmul.f32 v14, v18  }
0x6e: {  	v6 =	vadd.f32 v15, v6;
	v28 =	vmul.f32 v13, v16;
	v5 =	vadd.f32 v5, v8  }
0x6f: {  	vm2 =	vmand vm2, vm3;
	v19 =	vmul.f32 v19, v19;
	v24 =	vmul.f32 v20, v20  }
0x70: {  	v39 =	vld [tilespmem:s18+$0x1010];
	v17 =	vnsel vm2, $0x0, v62;
	v31 =	vmul.f32 v21, v21;
	v32 =	vmul.f32 v63, v63  }
0x71: {  	v15 =	vsub.f32 $1.500000000e+00, v28;
	v23 =	vmul.f32 v23, v23;
	v29 =	vadd.f32 v24, v19  }
0x72: {  	v9 =	vadd.f32 v17, v9;
	v18 =	vmul.f32 v27, v27;
	v17 =	vadd.f32 v32, v31  }
0x73: {  	v4 =	vadd.f32 v30, v4;
	v12 =	vmul.f32 v14, v12;
	v16 =	vadd.f32 v23, v29  }
0x74: {  	v43 =	vld [tilespmem:s19+$0x10];
	v7 =	vadd.f32 v33, v7;
	v34 =	vmul.f32 v13, v15;
	v17 =	vadd.f32 v18, v17  }
0x75: {  	v46 =	vld [tilespmem:s19+$0x1000];
	v12 =	vmul.f32 v12, v14;
	vm9 =	veq.s32 v39, $0x8E;
	v35 =	vmax.f32 v16, $1.000000020e-16  }
0x76: {  	v54 =	vld [tilespmem:s19+$0x1010];
	v17 =	vmax.f32 v17, $1.000000020e-16;
	v16 =	vshra.s32 v35, $0x1;
	v15 =	vmul.f32 $5.000000000e-01, v35  }
0x77: {  	v40 =	vshra.s32 v17, $0x1;
	v17 =	vmul.f32 $5.000000000e-01, v17;
	v36 =	vsub.s32 $0x5F3759DF, v16  }
0x78: {  	v12 =	vsub.f32 $1.500000000e+00, v12;
	v42 =	vsub.s32 $0x5F3759DF, v40;
	v38 =	vmul.f32 v36, v15  }
0x79: {  	v49 =	vadd.f32 $-1.799999950e+00, v43;
	v10 =	vmul.f32 v34, v10;
	v44 =	vmul.f32 v42, v17  }
0x7a: {  	vm11 =	veq.s32 v46, $0x8E;
	v12 =	vmul.f32 v12, v14;
	v41 =	vmul.f32 v36, v38  }
0x7b: {  	vm13 =	veq.s32 v54, $0x8E;
	v55 =	vsel vm11, $0x3F800000, v0;
	v23 =	vmul.f32 v42, v44  }
0x7c: {  	v10 =	vmul.f32 v10, v34;
	v2 =	vmul.f32 v12, v2;
	v45 =	vsub.f32 $1.500000000e+00, v41  }
0x7d: {  	v56 =	vnsel vm9, $0x0, v11;
	v57 =	vsel vm9, $0x3F800000, v0;
	v48 =	vsub.f32 $1.500000000e+00, v23  }
0x7e: {  	v10 =	vsub.f32 $1.500000000e+00, v10;
	v47 =	vand.u32 $0x7FFFFFFF, v2;
	v8 =	vmul.f32 v36, v45  }
0x7f: {  	v37 =	vld [tilespmem:s19+$0x0];
	v2 =	vadd.f32 $1.000000000e+00, v2;
	vm10 =	vlt.f32 v47, $9.990000120e-01;
	v12 =	vmul.f32 v42, v48  }
0x80: {  	v61 =	vsel vm13, $0x3F800000, v0;
	vm2 =	vmand vm9, vm10;
	v15 =	vmul.f32 v8, v15  }
0x81: {  	v10 =	vmul.f32 v10, v34;
	v2 =	vnsel vm2, $0x0, v2;
	v51 =	vmul.f32 v12, v17  }
0x82: {  	v5 =	vadd.f32 v56, v5;
	v2 =	vadd.f32 v2, v3;
	v3 =	vmul.f32 v15, v8  }
0x83: {  	v4 =	vadd.f32 v55, v4;
	v1 =	vmul.f32 v10, v1;
	v10 =	vmul.f32 v51, v12  }
0x84: {  	v52 =	vand.u32 $0x7FFFFFFF, v49;
	v16 =	vadd.f32 $-1.799999950e+00, v37;
	v3 =	vsub.f32 $1.500000000e+00, v3  }
0x85: {  	v7 =	vadd.f32 v57, v7;
	v62 =	vnsel vm13, $0x0, v52;
	v10 =	vsub.f32 $1.500000000e+00, v10  }
0x86: {  	v5 =	vadd.f32 v62, v5;
	v50 =	vand.u32 $0x7FFFFFFF, v16;
	v3 =	vmul.f32 v3, v8  }
0x87: {  	v13 =	vnsel vm11, $0x0, v50;
	v53 =	vand.u32 $0x7FFFFFFF, v1;
	v10 =	vmul.f32 v10, v12  }
0x88: {  	v1 =	vadd.f32 $1.000000000e+00, v1;
	vm12 =	vlt.f32 v53, $9.990000120e-01;
	v3 =	vmul.f32 v3, v20  }
0x89: {  	vm2 =	vmmov vm11;
	vm0 =	vmand vm8, vm12;
	v59 =	vmul.f32 v10, v63  }
0x8a: {  	v6 =	vadd.f32 v13, v6;
	v1 =	vnsel vm0, $0x0, v1;
	v58 =	vand.u32 $0x7FFFFFFF, v3  }
0x8b: {  	v3 =	vadd.f32 $1.000000000e+00, v3;
	v60 =	vand.u32 $0x7FFFFFFF, v59;
	vm14 =	vlt.f32 v58, $9.990000120e-01  }
0x8c: {  	v8 =	vadd.f32 $1.000000000e+00, v59;
	vm15 =	vlt.f32 v60, $9.990000120e-01;
	vm1 =	vmand vm13, vm14  }
0x8d: {  	v1 =	vadd.f32 v1, v9;
	v3 =	vnsel vm1, $0x0, v3;
	vm1 =	vmand vm2, vm15  }
0x8e: {  	v7 =	vadd.f32 v61, v7;
	v2 =	vadd.f32 v3, v2;
	v3 =	vnsel vm1, $0x0, v8  }
0x8f: {  	v63 =	vadd.f32 v5, v6;
	v1 =	vadd.f32 v3, v1  }
0x90: {  	v3 =	vadd.f32 v7, v4  }
0x91: {  	s17 =	sadd.s32 $0x1, s17;
	[tilespmem:$0x5010] =	vst v63;
	v1 =	vadd.f32 v2, v1  }
0x92: {  	p0 =	sne.s32 s17, s9;
	[tilespmem:$0x5000] =	vst v3  }
.Ltmp1:
0x93: {  	[tilespmem:$0x5020] =	vst v1;
	(pc) =	sbr.rel @p0 .LBB2_1-.Ltmp1, $4  }
0x94: {  	[hbm4b:s8+s2] =	stream.linear.scatter [tilespmem:s15], [sflag:$0x2], $0x80, $0x38;
	[tilespmem:$0x5080] =	vst v63  }
0x95: {  	_ =	swait.ge [sflag:s16], $0x80  }
0x96: {  	[sflag:s16] =	ssyncset.done $0x0  }
0x97: {  	[sflag:s16] =	ssyncadd.s32 $0xFFFFFF80  }
0x98: {  	_ =	sfence.sel $0x180000  }
0x99: {  	[bflag:$0x0] =	sbarrier.arrive $0xFFFF  }
0x9a: {  	p0 =	sne.s32 s1, $0x0;
	_ =	strace $0x90000047  }
0x9b: {  	s0 =	sadd.s32 @!p0 $0x100000, s0;
	[bflag:$0x2] =	sbarrier.arrive $0xFFFF  }
0x9c: {  	[sflag:s0] =	ssyncadd.tile.s32 @!p0 $0x1;
	_ =	shalt  }
.Lfunc_end2:
_tile_overlayer_lowered:
.L_overlay_start_2:
0x9d: {  	(tag) =	ssettag $0x2  }
0x9e: {  	s0 =	rddreg [dreg:$0x0];
	s2 =	stileid.u32  }
0x9f: {  	s1 =	rddreg [dreg:$0x1];
	p0 =	sne.s32 s2, $0x0  }
0xa0: {  	s3 =	rddreg [dreg:$0x2];
	[bflag:$0x3] =	sbarrier.arrive $0xFFFF;
	s2 =	simm.s32 @!p0 $0x1C02  }
0xa1: {  	[timem:s3], [sflag:s2] =	dma.local @!p0 [hbm:s0], s1  }
0xa2: {  	s0 =	simm.s32 @!p0 $0x2  }
0xa3: {  	_ =	swait.ge @!p0 [sflag:s0], s1  }
0xa4: {  	s1 =	ssub.s32 @!p0 $0x0, s1;
	[sflag:s0] =	ssyncset.done @!p0 $0x0  }
0xa5: {  	[sflag:s0] =	ssyncadd.s32 @!p0 s1  }
0xa6: {  	[bflag:$0x3] =	sbarrier.arrive $0xFFFF  }
0xa7: {  	_ =	shalt  }

</sc_bundles>
